<compile_context>
chip_gen: v7x
topology: tpu7x:2x2x1
jax: 0.10.2.dev20260603
libtpu: 0.0.44.dev20260713+nightly
codegen_flags: <defaults>
</compile_context>

<pallas_src>
import functools

import jax
import jax.numpy as jnp
from jax import lax
from jax.experimental import pallas as pl
from jax.experimental.pallas import tpu as pltpu
from jax.experimental.pallas import tpu_sc as plsc

N = 10000
E = 320000
D = 128

NC = 2
NS = 16
LANES = 16
NW = NC * NS
E_W = E // NW
CHUNK = 80
N_CHUNKS = E_W // CHUNK
ROWS_W = 624
ROWS_TAIL = N - NS * ROWS_W
_BR = 2000

_mesh = plsc.VectorSubcoreMesh(core_axis_name="c", subcore_axis_name="s")
_sc_params = pltpu.CompilerParams(needs_layout_passes=False)


def _zero_f32(ref, n_rows, n_cols):
    zer = jnp.zeros((LANES,), jnp.float32)

    def body(r, carry):
        for cc in range(n_cols // LANES):
            ref[r, pl.ds(cc * LANES, LANES)] = zer
        return carry

    lax.fori_loop(0, n_rows, body, 0)


@functools.partial(
    pl.kernel,
    out_type=jax.ShapeDtypeStruct((NW * N,), jnp.float32),
    mesh=_mesh,
    compiler_params=_sc_params,
    scratch_types=[
        pltpu.VMEM((E_W,), jnp.int32),
        pltpu.VMEM((N,), jnp.float32),
        pltpu.SemaphoreType.DMA,
    ],
)
def _deg_kernel(dst_hbm, deg_hbm, dst_v, deg_v, sem):
    wid = lax.axis_index("c") * NS + lax.axis_index("s")
    cp = pltpu.async_copy(dst_hbm.at[pl.ds(wid * E_W, E_W)], dst_v, sem)

    zer = jnp.zeros((LANES,), jnp.float32)

    def zbody(i, carry):
        deg_v[pl.ds(i * LANES, LANES)] = zer
        return carry

    lax.fori_loop(0, N // LANES, zbody, 0)
    cp.wait()

    one = jnp.ones((LANES,), jnp.float32)

    def body(i, carry):
        idx = dst_v[pl.ds(i * LANES, LANES)]
        plsc.addupdate_scatter(deg_v, [idx], one)
        return carry

    lax.fori_loop(0, E_W // LANES, body, 0)
    for blk in range(N // _BR):
        pltpu.sync_copy(deg_v.at[pl.ds(blk * _BR, _BR)],
                        deg_hbm.at[pl.ds(blk * NW * _BR + wid * _BR, _BR)])


NBUF = 4
NIDX = 8
GLEAD = 3


@functools.partial(
    pl.kernel,
    out_type=jax.ShapeDtypeStruct((NC, N, D), jnp.float32),
    mesh=_mesh,
    compiler_params=_sc_params,
    scratch_types=[
        [pltpu.VMEM((CHUNK,), jnp.int32) for _ in range(NIDX)],
        [pltpu.VMEM((CHUNK,), jnp.int32) for _ in range(NIDX)],
        [pltpu.VMEM((CHUNK, D), jnp.float32) for _ in range(NBUF)],
        [pltpu.SemaphoreType.DMA for _ in range(NIDX)],
        [pltpu.SemaphoreType.DMA for _ in range(NIDX)],
        [pltpu.SemaphoreType.DMA for _ in range(NBUF)],
        pltpu.VMEM_SHARED((N, D), jnp.float32),
    ],
)
def _edge_kernel(src_hbm, dst_hbm, g_hbm, acc_hbm,
                 sidx_v, didx_v, rows_v, ssems, dsems, gsems, acc_sh):
    cid = lax.axis_index("c")
    sid = lax.axis_index("s")
    wid = cid * NS + sid
    base = wid * E_W

    zrow = rows_v[0]
    _zero_f32(zrow, CHUNK, D)
    row0 = sid * ROWS_W
    for k in range(ROWS_W // CHUNK):
        pltpu.sync_copy(zrow, acc_sh.at[pl.ds(row0 + k * CHUNK, CHUNK)])
    rem = ROWS_W % CHUNK
    if rem:
        pltpu.sync_copy(zrow.at[pl.ds(0, rem)],
                        acc_sh.at[pl.ds(row0 + (ROWS_W // CHUNK) * CHUNK, rem)])

    @pl.when(sid == 0)
    def _():
        pltpu.sync_copy(zrow.at[pl.ds(0, ROWS_TAIL)],
                        acc_sh.at[pl.ds(NS * ROWS_W, ROWS_TAIL)])

    def start_idx(i, q):
        off = base + i * CHUNK
        pltpu.async_copy(src_hbm.at[pl.ds(off, CHUNK)], sidx_v[q], ssems[q])
        pltpu.async_copy(dst_hbm.at[pl.ds(off, CHUNK)], didx_v[q], dsems[q])

    def wait_idx(i, q):
        off = base + i * CHUNK
        pltpu.make_async_copy(src_hbm.at[pl.ds(off, CHUNK)],
                              sidx_v[q], ssems[q]).wait()
        pltpu.make_async_copy(dst_hbm.at[pl.ds(off, CHUNK)],
                              didx_v[q], dsems[q]).wait()

    def start_gather(i, b, q):
        pltpu.async_copy(g_hbm.at[sidx_v[q]], rows_v[b], gsems[b])

    def wait_gather(i, b, q):
        pltpu.make_async_copy(g_hbm.at[sidx_v[q]], rows_v[b], gsems[b]).wait()

    for j in range(NIDX):
        start_idx(j, j)
    plsc.subcore_barrier()
    for j in range(GLEAD):
        wait_idx(j, j)
        start_gather(j, j % NBUF, j)

    def step(i, u):
        b, q = u % NBUF, u % NIDX
        bg, qg = (u + GLEAD) % NBUF, (u + GLEAD) % NIDX
        wait_gather(i, b, q)

        @pl.when(i + GLEAD < N_CHUNKS)
        def _():
            wait_idx(i + GLEAD, qg)
            start_gather(i + GLEAD, bg, qg)

        pltpu.sync_copy(rows_v[b], acc_sh.at[didx_v[q]], add=True)

        @pl.when(i + NIDX < N_CHUNKS)
        def _():
            start_idx(i + NIDX, q)

    def body(jblk, carry):
        j0 = jblk * NIDX
        for u in range(NIDX):
            step(j0 + u, u)
        return carry

    n_full = N_CHUNKS // NIDX
    lax.fori_loop(0, n_full, body, 0)
    for i in range(n_full * NIDX, N_CHUNKS):
        step(i, i % NIDX)
    plsc.subcore_barrier()

    pltpu.sync_copy(acc_sh.at[pl.ds(row0, ROWS_W)],
                    acc_hbm.at[cid, pl.ds(row0, ROWS_W)])

    @pl.when(sid == 0)
    def _():
        pltpu.sync_copy(acc_sh.at[pl.ds(NS * ROWS_W, ROWS_TAIL)],
                        acc_hbm.at[cid, pl.ds(NS * ROWS_W, ROWS_TAIL)])


def _dis_block(degp_ref):
    deg = jnp.sum(degp_ref[0], axis=0) + 1.0
    return lax.rsqrt(deg)


def _gmm_body(x_ref, w_ref, degp_ref, g_ref):
    h = jnp.dot(x_ref[...], w_ref[...],
                preferred_element_type=jnp.float32,
                precision=lax.Precision.HIGHEST)
    g_ref[...] = h * _dis_block(degp_ref)[:, None]


def _gmm(x, W, deg_parts):
    return pl.pallas_call(
        _gmm_body,
        grid=(N // _BR,),
        in_specs=[
            pl.BlockSpec((_BR, D), lambda i: (i, 0)),
            pl.BlockSpec((D, D), lambda i: (0, 0)),
            pl.BlockSpec((1, NW, _BR), lambda i: (i, 0, 0)),
        ],
        out_specs=pl.BlockSpec((_BR, D), lambda i: (i, 0)),
        out_shape=jax.ShapeDtypeStruct((N, D), jnp.float32),
    )(x, W, deg_parts)


def _epi_body(acc_ref, g_ref, degp_ref, b_ref, sc_ref, of_ref, o_ref):
    dis = _dis_block(degp_ref)
    v = (acc_ref[0] + acc_ref[1] + g_ref[...]) * dis[:, None] + b_ref[...]
    o_ref[...] = jnp.maximum(v * sc_ref[...] + of_ref[...], 0.0)


def _epilogue(acc, g, deg_parts, b2, scale2, offset2):
    return pl.pallas_call(
        _epi_body,
        grid=(N // _BR,),
        in_specs=[
            pl.BlockSpec((NC, _BR, D), lambda i: (0, i, 0)),
            pl.BlockSpec((_BR, D), lambda i: (i, 0)),
            pl.BlockSpec((1, NW, _BR), lambda i: (i, 0, 0)),
            pl.BlockSpec((1, D), lambda i: (0, 0)),
            pl.BlockSpec((1, D), lambda i: (0, 0)),
            pl.BlockSpec((1, D), lambda i: (0, 0)),
        ],
        out_specs=pl.BlockSpec((_BR, D), lambda i: (i, 0)),
        out_shape=jax.ShapeDtypeStruct((N, D), jnp.float32),
    )(acc, g, deg_parts, b2, scale2, offset2)


def kernel(x, edge_index, W, b, gamma, beta, running_mean, running_var):
    src = edge_index[0].astype(jnp.int32)
    dst = edge_index[1].astype(jnp.int32)

    deg_parts = _deg_kernel(dst).reshape(N // _BR, NW, _BR)
    g = _gmm(x, W, deg_parts)
    acc = _edge_kernel(src, dst, g)

    scale = gamma * lax.rsqrt(running_var + 1e-5)
    offset = beta - running_mean * scale
    return _epilogue(acc, g, deg_parts, b.reshape(1, D),
                     scale.reshape(1, D), offset.reshape(1, D))

# --- scband reference (transcript-rebuilt; emitter-appended) ---
"""Pipeline reference for scband-gcnblock-68384469287503 (READ-ONLY COPY).

The authoritative reference and input builder live on the scoring server;
editing this copy changes nothing except your own understanding.
"""

import jax, jax.numpy as jnp
import numpy as np

N_NODES = 10000
N_EDGES = 320000
D_IN = 128
D_OUT = 128
BN_EPS = 1e-5


def setup_inputs(seed: int = 0) -> dict:
    key = jax.random.key(seed)
    k1, k2, k3, k4, k5, k6 = jax.random.split(key, 6)
    x = jax.random.normal(k1, (N_NODES, D_IN), dtype=jnp.float32)
    edge_index = jax.random.randint(k2, (2, N_EDGES), 0, N_NODES, dtype=jnp.int64)
    # GCNConv linear weight (applied as x @ W) + bias
    W = jax.random.normal(k3, (D_IN, D_OUT), dtype=jnp.float32) * (1.0 / np.sqrt(D_IN))
    b = jnp.zeros((D_OUT,), dtype=jnp.float32)
    # BatchNorm affine params and running stats (eval mode)
    gamma = jnp.ones((D_OUT,), dtype=jnp.float32) + 0.01 * jax.random.normal(k4, (D_OUT,), dtype=jnp.float32)
    beta = 0.01 * jax.random.normal(k5, (D_OUT,), dtype=jnp.float32)
    running_mean = 0.01 * jax.random.normal(k6, (D_OUT,), dtype=jnp.float32)
    running_var = jnp.ones((D_OUT,), dtype=jnp.float32)
    return {"x": x, "edge_index": edge_index, "W": W, "b": b,
            "gamma": gamma, "beta": beta,
            "running_mean": running_mean, "running_var": running_var}


def reference(x, edge_index, W, b, gamma, beta, running_mean, running_var):
    N = x.shape[0]
    # --- GCNConv (add_self_loops=True, normalize=True) ---
    loop = jnp.arange(N, dtype=edge_index.dtype)
    src = jnp.concatenate([edge_index[0], loop])
    dst = jnp.concatenate([edge_index[1], loop])
    deg = jnp.zeros((N,), dtype=x.dtype).at[dst].add(1.0)
    deg_inv_sqrt = jnp.where(deg > 0, 1.0 / jnp.sqrt(deg), 0.0)
    norm = deg_inv_sqrt[src] * deg_inv_sqrt[dst]
    h = x @ W                       # linear transform first
    msg = h[src] * norm[:, None]    # gather + scale
    out = jnp.zeros_like(h).at[dst].add(msg)  # scatter-add aggregation
    out = out + b
    # --- BatchNorm1d (eval mode: running stats) ---
    out = (out - running_mean) / jnp.sqrt(running_var + BN_EPS) * gamma + beta
    # --- Dropout (eval mode: identity) + ReLU ---
    out = jax.nn.relu(out)
    return out

if __name__ == "__main__":
    import jax
    _d = setup_inputs()
    print(jax.jit(kernel)(*tuple(_d.values())))

</pallas_src>

<mosaic_0001>
#map = affine_map<(d0, d1) -> (0)>
#map1 = affine_map<(d0, d1) -> (0, 0)>
#map2 = affine_map<(d0, d1) -> (0, 0, 0)>
module attributes {stable_mosaic.version = 14 : i64} {
  func.func @_edge_kernel(%arg0: i32, %arg1: i32, %arg2: memref<320000xi32, #tpu.memory_space<hbm>>, %arg3: memref<320000xi32, #tpu.memory_space<hbm>>, %arg4: memref<10000x128xf32, #tpu.memory_space<hbm>>, %arg5: memref<2x10000x128xf32, #tpu.memory_space<hbm>>, %arg6: memref<80xi32, #tpu.memory_space<vmem>>, %arg7: memref<80xi32, #tpu.memory_space<vmem>>, %arg8: memref<80xi32, #tpu.memory_space<vmem>>, %arg9: memref<80xi32, #tpu.memory_space<vmem>>, %arg10: memref<80xi32, #tpu.memory_space<vmem>>, %arg11: memref<80xi32, #tpu.memory_space<vmem>>, %arg12: memref<80xi32, #tpu.memory_space<vmem>>, %arg13: memref<80xi32, #tpu.memory_space<vmem>>, %arg14: memref<80xi32, #tpu.memory_space<vmem>>, %arg15: memref<80xi32, #tpu.memory_space<vmem>>, %arg16: memref<80xi32, #tpu.memory_space<vmem>>, %arg17: memref<80xi32, #tpu.memory_space<vmem>>, %arg18: memref<80xi32, #tpu.memory_space<vmem>>, %arg19: memref<80xi32, #tpu.memory_space<vmem>>, %arg20: memref<80xi32, #tpu.memory_space<vmem>>, %arg21: memref<80xi32, #tpu.memory_space<vmem>>, %arg22: memref<80x128xf32, #tpu.memory_space<vmem>>, %arg23: memref<80x128xf32, #tpu.memory_space<vmem>>, %arg24: memref<80x128xf32, #tpu.memory_space<vmem>>, %arg25: memref<80x128xf32, #tpu.memory_space<vmem>>, %arg26: memref<!tpu.dma_semaphore, #tpu.memory_space<semaphore_mem>>, %arg27: memref<!tpu.dma_semaphore, #tpu.memory_space<semaphore_mem>>, %arg28: memref<!tpu.dma_semaphore, #tpu.memory_space<semaphore_mem>>, %arg29: memref<!tpu.dma_semaphore, #tpu.memory_space<semaphore_mem>>, %arg30: memref<!tpu.dma_semaphore, #tpu.memory_space<semaphore_mem>>, %arg31: memref<!tpu.dma_semaphore, #tpu.memory_space<semaphore_mem>>, %arg32: memref<!tpu.dma_semaphore, #tpu.memory_space<semaphore_mem>>, %arg33: memref<!tpu.dma_semaphore, #tpu.memory_space<semaphore_mem>>, %arg34: memref<!tpu.dma_semaphore, #tpu.memory_space<semaphore_mem>>, %arg35: memref<!tpu.dma_semaphore, #tpu.memory_space<semaphore_mem>>, %arg36: memref<!tpu.dma_semaphore, #tpu.memory_space<semaphore_mem>>, %arg37: memref<!tpu.dma_semaphore, #tpu.memory_space<semaphore_mem>>, %arg38: memref<!tpu.dma_semaphore, #tpu.memory_space<semaphore_mem>>, %arg39: memref<!tpu.dma_semaphore, #tpu.memory_space<semaphore_mem>>, %arg40: memref<!tpu.dma_semaphore, #tpu.memory_space<semaphore_mem>>, %arg41: memref<!tpu.dma_semaphore, #tpu.memory_space<semaphore_mem>>, %arg42: memref<!tpu.dma_semaphore, #tpu.memory_space<semaphore_mem>>, %arg43: memref<!tpu.dma_semaphore, #tpu.memory_space<semaphore_mem>>, %arg44: memref<!tpu.dma_semaphore, #tpu.memory_space<semaphore_mem>>, %arg45: memref<!tpu.dma_semaphore, #tpu.memory_space<semaphore_mem>>, %arg46: memref<10000x128xf32, #tpu.memory_space<vmem_shared>>) attributes {dimension_semantics = [#tpu.dimension_semantics<core_parallel>, #tpu.dimension_semantics<subcore_parallel>], iteration_bounds = array<i64: 2, 16>, scalar_prefetch = 0 : i64, scratch_operands = 41 : i64, tpu.core_type = #tpu.core_type<sc_vector_subcore>, window_params = [{transform_indices = #map}, {transform_indices = #map}, {transform_indices = #map1}, {transform_indices = #map2}]} {
    %mul3A = arith.constant 16 : i32
    %mul3A_0 = arith.muli %arg0, %mul3A : i32
    %add3A = arith.addi %mul3A_0, %arg1 : i32
    %mul3A_1 = arith.constant 10000 : i32
    %mul3A_2 = arith.muli %add3A, %mul3A_1 : i32
    %broadcast_in_dim3A = arith.constant 0.000000e+00 : f32
    %broadcast_in_dim3A_3 = vector.broadcast %broadcast_in_dim3A : f32 to vector<16xf32>
    %scan3A = arith.constant 0 : i32
    %scan3A_4 = arith.constant 0 : i32
    %scan3A_5 = arith.constant 80 : i32
    %scan3A_6 = arith.addi %scan3A_4, %scan3A_5 : i32
    %scan3A_7 = arith.constant 1 : i32
    scf.for %scan3A_147 = %scan3A_4 to %scan3A_6 step %scan3A_7  : i32 {
      %swap3A = arith.index_cast %scan3A_147 : i32 to index
      %swap3A_148 = arith.constant 0 : index
      %swap3A_149 = tpu.vector_load %arg22[%swap3A, %swap3A_148] {strides = array<i32>} : memref<80x128xf32, #tpu.memory_space<vmem>>, vector<16xf32>,
      tpu.vector_store %arg22[%swap3A, %swap3A_148], %broadcast_in_dim3A_3 {strides = array<i32>} : memref<80x128xf32, #tpu.memory_space<vmem>>, vector<16xf32>,
      %swap3A_150 = arith.index_cast %scan3A_147 : i32 to index
      %swap3A_151 = arith.constant 16 : index
      %swap3A_152 = tpu.vector_load %arg22[%swap3A_150, %swap3A_151] {strides = array<i32>} : memref<80x128xf32, #tpu.memory_space<vmem>>, vector<16xf32>,
      tpu.vector_store %arg22[%swap3A_150, %swap3A_151], %broadcast_in_dim3A_3 {strides = array<i32>} : memref<80x128xf32, #tpu.memory_space<vmem>>, vector<16xf32>,
      %swap3A_153 = arith.index_cast %scan3A_147 : i32 to index
      %swap3A_154 = arith.constant 32 : index
      %swap3A_155 = tpu.vector_load %arg22[%swap3A_153, %swap3A_154] {strides = array<i32>} : memref<80x128xf32, #tpu.memory_space<vmem>>, vector<16xf32>,
      tpu.vector_store %arg22[%swap3A_153, %swap3A_154], %broadcast_in_dim3A_3 {strides = array<i32>} : memref<80x128xf32, #tpu.memory_space<vmem>>, vector<16xf32>,
      %swap3A_156 = arith.index_cast %scan3A_147 : i32 to index
      %swap3A_157 = arith.constant 48 : index
      %swap3A_158 = tpu.vector_load %arg22[%swap3A_156, %swap3A_157] {strides = array<i32>} : memref<80x128xf32, #tpu.memory_space<vmem>>, vector<16xf32>,
      tpu.vector_store %arg22[%swap3A_156, %swap3A_157], %broadcast_in_dim3A_3 {strides = array<i32>} : memref<80x128xf32, #tpu.memory_space<vmem>>, vector<16xf32>,
      %swap3A_159 = arith.index_cast %scan3A_147 : i32 to index
      %swap3A_160 = arith.constant 64 : index
      %swap3A_161 = tpu.vector_load %arg22[%swap3A_159, %swap3A_160] {strides = array<i32>} : memref<80x128xf32, #tpu.memory_space<vmem>>, vector<16xf32>,
      tpu.vector_store %arg22[%swap3A_159, %swap3A_160], %broadcast_in_dim3A_3 {strides = array<i32>} : memref<80x128xf32, #tpu.memory_space<vmem>>, vector<16xf32>,
      %swap3A_162 = arith.index_cast %scan3A_147 : i32 to index
      %swap3A_163 = arith.constant 80 : index
      %swap3A_164 = tpu.vector_load %arg22[%swap3A_162, %swap3A_163] {strides = array<i32>} : memref<80x128xf32, #tpu.memory_space<vmem>>, vector<16xf32>,
      tpu.vector_store %arg22[%swap3A_162, %swap3A_163], %broadcast_in_dim3A_3 {strides = array<i32>} : memref<80x128xf32, #tpu.memory_space<vmem>>, vector<16xf32>,
      %swap3A_165 = arith.index_cast %scan3A_147 : i32 to index
      %swap3A_166 = arith.constant 96 : index
      %swap3A_167 = tpu.vector_load %arg22[%swap3A_165, %swap3A_166] {strides = array<i32>} : memref<80x128xf32, #tpu.memory_space<vmem>>, vector<16xf32>,
      tpu.vector_store %arg22[%swap3A_165, %swap3A_166], %broadcast_in_dim3A_3 {strides = array<i32>} : memref<80x128xf32, #tpu.memory_space<vmem>>, vector<16xf32>,
      %swap3A_168 = arith.index_cast %scan3A_147 : i32 to index
      %swap3A_169 = arith.constant 112 : index
      %swap3A_170 = tpu.vector_load %arg22[%swap3A_168, %swap3A_169] {strides = array<i32>} : memref<80x128xf32, #tpu.memory_space<vmem>>, vector<16xf32>,
      tpu.vector_store %arg22[%swap3A_168, %swap3A_169], %broadcast_in_dim3A_3 {strides = array<i32>} : memref<80x128xf32, #tpu.memory_space<vmem>>, vector<16xf32>,
    }
    %scan3A_8 = arith.constant 80 : i32
    %mul3A_9 = arith.constant 624 : i32
    %mul3A_10 = arith.muli %arg1, %mul3A_9 : i32
    %add3A_11 = arith.constant 0 : i32
    %add3A_12 = arith.addi %mul3A_10, %add3A_11 : i32
    "tpu.region"() ({
      %run_scoped3A = tpu.sem_alloc : memref<!tpu.dma_semaphore, #tpu.memory_space<semaphore_mem>>
      %dma_start3A_147 = arith.constant 0 : i32
      %dma_start3A_148 = tpu.memref_slice %arg46[%add3A_12, %dma_start3A_147] : memref<10000x128xf32, #tpu.memory_space<vmem_shared>> -> memref<80x128xf32, #tpu.memory_space<vmem_shared>>
      %dma_start3A_149 = arith.constant 0 : i32
      %dma_start3A_150 = tpu.memref_slice %arg46[%add3A_12, %dma_start3A_149] : memref<10000x128xf32, #tpu.memory_space<vmem_shared>> -> memref<80x128xf32, #tpu.memory_space<vmem_shared>>
      tpu.enqueue_dma source(%arg22 : memref<80x128xf32, #tpu.memory_space<vmem>>) target(%dma_start3A_150 : memref<80x128xf32, #tpu.memory_space<vmem_shared>>) target_semaphore(%run_scoped3A : memref<!tpu.dma_semaphore, #tpu.memory_space<semaphore_mem>>)
      %dma_wait3A_151 = arith.constant 0 : i32
      %dma_wait3A_152 = tpu.memref_slice %arg46[%add3A_12, %dma_wait3A_151] : memref<10000x128xf32, #tpu.memory_space<vmem_shared>> -> memref<80x128xf32, #tpu.memory_space<vmem_shared>>
      %dma_wait3A_153 = arith.constant 0 : i32
      %dma_wait3A_154 = tpu.memref_slice %arg46[%add3A_12, %dma_wait3A_153] : memref<10000x128xf32, #tpu.memory_space<vmem_shared>> -> memref<80x128xf32, #tpu.memory_space<vmem_shared>>
      tpu.wait_dma2 semaphore(%run_scoped3A : memref<!tpu.dma_semaphore, #tpu.memory_space<semaphore_mem>>) src(%arg22 : memref<80x128xf32, #tpu.memory_space<vmem>>) dst(%dma_wait3A_154 : memref<80x128xf32, #tpu.memory_space<vmem_shared>>)
      tpu.yield
    }) : () -> ()
    %add3A_13 = arith.constant 80 : i32
    %add3A_14 = arith.addi %mul3A_10, %add3A_13 : i32
    "tpu.region"() ({
      %run_scoped3A = tpu.sem_alloc : memref<!tpu.dma_semaphore, #tpu.memory_space<semaphore_mem>>
      %dma_start3A_147 = arith.constant 0 : i32
      %dma_start3A_148 = tpu.memref_slice %arg46[%add3A_14, %dma_start3A_147] : memref<10000x128xf32, #tpu.memory_space<vmem_shared>> -> memref<80x128xf32, #tpu.memory_space<vmem_shared>>
      %dma_start3A_149 = arith.constant 0 : i32
      %dma_start3A_150 = tpu.memref_slice %arg46[%add3A_14, %dma_start3A_149] : memref<10000x128xf32, #tpu.memory_space<vmem_shared>> -> memref<80x128xf32, #tpu.memory_space<vmem_shared>>
      tpu.enqueue_dma source(%arg22 : memref<80x128xf32, #tpu.memory_space<vmem>>) target(%dma_start3A_150 : memref<80x128xf32, #tpu.memory_space<vmem_shared>>) target_semaphore(%run_scoped3A : memref<!tpu.dma_semaphore, #tpu.memory_space<semaphore_mem>>)
      %dma_wait3A_151 = arith.constant 0 : i32
      %dma_wait3A_152 = tpu.memref_slice %arg46[%add3A_14, %dma_wait3A_151] : memref<10000x128xf32, #tpu.memory_space<vmem_shared>> -> memref<80x128xf32, #tpu.memory_space<vmem_shared>>
      %dma_wait3A_153 = arith.constant 0 : i32
      %dma_wait3A_154 = tpu.memref_slice %arg46[%add3A_14, %dma_wait3A_153] : memref<10000x128xf32, #tpu.memory_space<vmem_shared>> -> memref<80x128xf32, #tpu.memory_space<vmem_shared>>
      tpu.wait_dma2 semaphore(%run_scoped3A : memref<!tpu.dma_semaphore, #tpu.memory_space<semaphore_mem>>) src(%arg22 : memref<80x128xf32, #tpu.memory_space<vmem>>) dst(%dma_wait3A_154 : memref<80x128xf32, #tpu.memory_space<vmem_shared>>)
      tpu.yield
    }) : () -> ()
    %add3A_15 = arith.constant 160 : i32
    %add3A_16 = arith.addi %mul3A_10, %add3A_15 : i32
    "tpu.region"() ({
      %run_scoped3A = tpu.sem_alloc : memref<!tpu.dma_semaphore, #tpu.memory_space<semaphore_mem>>
      %dma_start3A_147 = arith.constant 0 : i32
      %dma_start3A_148 = tpu.memref_slice %arg46[%add3A_16, %dma_start3A_147] : memref<10000x128xf32, #tpu.memory_space<vmem_shared>> -> memref<80x128xf32, #tpu.memory_space<vmem_shared>>
      %dma_start3A_149 = arith.constant 0 : i32
      %dma_start3A_150 = tpu.memref_slice %arg46[%add3A_16, %dma_start3A_149] : memref<10000x128xf32, #tpu.memory_space<vmem_shared>> -> memref<80x128xf32, #tpu.memory_space<vmem_shared>>
      tpu.enqueue_dma source(%arg22 : memref<80x128xf32, #tpu.memory_space<vmem>>) target(%dma_start3A_150 : memref<80x128xf32, #tpu.memory_space<vmem_shared>>) target_semaphore(%run_scoped3A : memref<!tpu.dma_semaphore, #tpu.memory_space<semaphore_mem>>)
      %dma_wait3A_151 = arith.constant 0 : i32
      %dma_wait3A_152 = tpu.memref_slice %arg46[%add3A_16, %dma_wait3A_151] : memref<10000x128xf32, #tpu.memory_space<vmem_shared>> -> memref<80x128xf32, #tpu.memory_space<vmem_shared>>
      %dma_wait3A_153 = arith.constant 0 : i32
      %dma_wait3A_154 = tpu.memref_slice %arg46[%add3A_16, %dma_wait3A_153] : memref<10000x128xf32, #tpu.memory_space<vmem_shared>> -> memref<80x128xf32, #tpu.memory_space<vmem_shared>>
      tpu.wait_dma2 semaphore(%run_scoped3A : memref<!tpu.dma_semaphore, #tpu.memory_space<semaphore_mem>>) src(%arg22 : memref<80x128xf32, #tpu.memory_space<vmem>>) dst(%dma_wait3A_154 : memref<80x128xf32, #tpu.memory_space<vmem_shared>>)
      tpu.yield
    }) : () -> ()
    %add3A_17 = arith.constant 240 : i32
    %add3A_18 = arith.addi %mul3A_10, %add3A_17 : i32
    "tpu.region"() ({
      %run_scoped3A = tpu.sem_alloc : memref<!tpu.dma_semaphore, #tpu.memory_space<semaphore_mem>>
      %dma_start3A_147 = arith.constant 0 : i32
      %dma_start3A_148 = tpu.memref_slice %arg46[%add3A_18, %dma_start3A_147] : memref<10000x128xf32, #tpu.memory_space<vmem_shared>> -> memref<80x128xf32, #tpu.memory_space<vmem_shared>>
      %dma_start3A_149 = arith.constant 0 : i32
      %dma_start3A_150 = tpu.memref_slice %arg46[%add3A_18, %dma_start3A_149] : memref<10000x128xf32, #tpu.memory_space<vmem_shared>> -> memref<80x128xf32, #tpu.memory_space<vmem_shared>>
      tpu.enqueue_dma source(%arg22 : memref<80x128xf32, #tpu.memory_space<vmem>>) target(%dma_start3A_150 : memref<80x128xf32, #tpu.memory_space<vmem_shared>>) target_semaphore(%run_scoped3A : memref<!tpu.dma_semaphore, #tpu.memory_space<semaphore_mem>>)
      %dma_wait3A_151 = arith.constant 0 : i32
      %dma_wait3A_152 = tpu.memref_slice %arg46[%add3A_18, %dma_wait3A_151] : memref<10000x128xf32, #tpu.memory_space<vmem_shared>> -> memref<80x128xf32, #tpu.memory_space<vmem_shared>>
      %dma_wait3A_153 = arith.constant 0 : i32
      %dma_wait3A_154 = tpu.memref_slice %arg46[%add3A_18, %dma_wait3A_153] : memref<10000x128xf32, #tpu.memory_space<vmem_shared>> -> memref<80x128xf32, #tpu.memory_space<vmem_shared>>
      tpu.wait_dma2 semaphore(%run_scoped3A : memref<!tpu.dma_semaphore, #tpu.memory_space<semaphore_mem>>) src(%arg22 : memref<80x128xf32, #tpu.memory_space<vmem>>) dst(%dma_wait3A_154 : memref<80x128xf32, #tpu.memory_space<vmem_shared>>)
      tpu.yield
    }) : () -> ()
    %add3A_19 = arith.constant 320 : i32
    %add3A_20 = arith.addi %mul3A_10, %add3A_19 : i32
    "tpu.region"() ({
      %run_scoped3A = tpu.sem_alloc : memref<!tpu.dma_semaphore, #tpu.memory_space<semaphore_mem>>
      %dma_start3A_147 = arith.constant 0 : i32
      %dma_start3A_148 = tpu.memref_slice %arg46[%add3A_20, %dma_start3A_147] : memref<10000x128xf32, #tpu.memory_space<vmem_shared>> -> memref<80x128xf32, #tpu.memory_space<vmem_shared>>
      %dma_start3A_149 = arith.constant 0 : i32
      %dma_start3A_150 = tpu.memref_slice %arg46[%add3A_20, %dma_start3A_149] : memref<10000x128xf32, #tpu.memory_space<vmem_shared>> -> memref<80x128xf32, #tpu.memory_space<vmem_shared>>
      tpu.enqueue_dma source(%arg22 : memref<80x128xf32, #tpu.memory_space<vmem>>) target(%dma_start3A_150 : memref<80x128xf32, #tpu.memory_space<vmem_shared>>) target_semaphore(%run_scoped3A : memref<!tpu.dma_semaphore, #tpu.memory_space<semaphore_mem>>)
      %dma_wait3A_151 = arith.constant 0 : i32
      %dma_wait3A_152 = tpu.memref_slice %arg46[%add3A_20, %dma_wait3A_151] : memref<10000x128xf32, #tpu.memory_space<vmem_shared>> -> memref<80x128xf32, #tpu.memory_space<vmem_shared>>
      %dma_wait3A_153 = arith.constant 0 : i32
      %dma_wait3A_154 = tpu.memref_slice %arg46[%add3A_20, %dma_wait3A_153] : memref<10000x128xf32, #tpu.memory_space<vmem_shared>> -> memref<80x128xf32, #tpu.memory_space<vmem_shared>>
      tpu.wait_dma2 semaphore(%run_scoped3A : memref<!tpu.dma_semaphore, #tpu.memory_space<semaphore_mem>>) src(%arg22 : memref<80x128xf32, #tpu.memory_space<vmem>>) dst(%dma_wait3A_154 : memref<80x128xf32, #tpu.memory_space<vmem_shared>>)
      tpu.yield
    }) : () -> ()
    %add3A_21 = arith.constant 400 : i32
    %add3A_22 = arith.addi %mul3A_10, %add3A_21 : i32
    "tpu.region"() ({
      %run_scoped3A = tpu.sem_alloc : memref<!tpu.dma_semaphore, #tpu.memory_space<semaphore_mem>>
      %dma_start3A_147 = arith.constant 0 : i32
      %dma_start3A_148 = tpu.memref_slice %arg46[%add3A_22, %dma_start3A_147] : memref<10000x128xf32, #tpu.memory_space<vmem_shared>> -> memref<80x128xf32, #tpu.memory_space<vmem_shared>>
      %dma_start3A_149 = arith.constant 0 : i32
      %dma_start3A_150 = tpu.memref_slice %arg46[%add3A_22, %dma_start3A_149] : memref<10000x128xf32, #tpu.memory_space<vmem_shared>> -> memref<80x128xf32, #tpu.memory_space<vmem_shared>>
      tpu.enqueue_dma source(%arg22 : memref<80x128xf32, #tpu.memory_space<vmem>>) target(%dma_start3A_150 : memref<80x128xf32, #tpu.memory_space<vmem_shared>>) target_semaphore(%run_scoped3A : memref<!tpu.dma_semaphore, #tpu.memory_space<semaphore_mem>>)
      %dma_wait3A_151 = arith.constant 0 : i32
      %dma_wait3A_152 = tpu.memref_slice %arg46[%add3A_22, %dma_wait3A_151] : memref<10000x128xf32, #tpu.memory_space<vmem_shared>> -> memref<80x128xf32, #tpu.memory_space<vmem_shared>>
      %dma_wait3A_153 = arith.constant 0 : i32
      %dma_wait3A_154 = tpu.memref_slice %arg46[%add3A_22, %dma_wait3A_153] : memref<10000x128xf32, #tpu.memory_space<vmem_shared>> -> memref<80x128xf32, #tpu.memory_space<vmem_shared>>
      tpu.wait_dma2 semaphore(%run_scoped3A : memref<!tpu.dma_semaphore, #tpu.memory_space<semaphore_mem>>) src(%arg22 : memref<80x128xf32, #tpu.memory_space<vmem>>) dst(%dma_wait3A_154 : memref<80x128xf32, #tpu.memory_space<vmem_shared>>)
      tpu.yield
    }) : () -> ()
    %add3A_23 = arith.constant 480 : i32
    %add3A_24 = arith.addi %mul3A_10, %add3A_23 : i32
    "tpu.region"() ({
      %run_scoped3A = tpu.sem_alloc : memref<!tpu.dma_semaphore, #tpu.memory_space<semaphore_mem>>
      %dma_start3A_147 = arith.constant 0 : i32
      %dma_start3A_148 = tpu.memref_slice %arg46[%add3A_24, %dma_start3A_147] : memref<10000x128xf32, #tpu.memory_space<vmem_shared>> -> memref<80x128xf32, #tpu.memory_space<vmem_shared>>
      %dma_start3A_149 = arith.constant 0 : i32
      %dma_start3A_150 = tpu.memref_slice %arg46[%add3A_24, %dma_start3A_149] : memref<10000x128xf32, #tpu.memory_space<vmem_shared>> -> memref<80x128xf32, #tpu.memory_space<vmem_shared>>
      tpu.enqueue_dma source(%arg22 : memref<80x128xf32, #tpu.memory_space<vmem>>) target(%dma_start3A_150 : memref<80x128xf32, #tpu.memory_space<vmem_shared>>) target_semaphore(%run_scoped3A : memref<!tpu.dma_semaphore, #tpu.memory_space<semaphore_mem>>)
      %dma_wait3A_151 = arith.constant 0 : i32
      %dma_wait3A_152 = tpu.memref_slice %arg46[%add3A_24, %dma_wait3A_151] : memref<10000x128xf32, #tpu.memory_space<vmem_shared>> -> memref<80x128xf32, #tpu.memory_space<vmem_shared>>
      %dma_wait3A_153 = arith.constant 0 : i32
      %dma_wait3A_154 = tpu.memref_slice %arg46[%add3A_24, %dma_wait3A_153] : memref<10000x128xf32, #tpu.memory_space<vmem_shared>> -> memref<80x128xf32, #tpu.memory_space<vmem_shared>>
      tpu.wait_dma2 semaphore(%run_scoped3A : memref<!tpu.dma_semaphore, #tpu.memory_space<semaphore_mem>>) src(%arg22 : memref<80x128xf32, #tpu.memory_space<vmem>>) dst(%dma_wait3A_154 : memref<80x128xf32, #tpu.memory_space<vmem_shared>>)
      tpu.yield
    }) : () -> ()
    %add3A_25 = arith.constant 560 : i32
    %add3A_26 = arith.addi %mul3A_10, %add3A_25 : i32
    "tpu.region"() ({
      %run_scoped3A = tpu.sem_alloc : memref<!tpu.dma_semaphore, #tpu.memory_space<semaphore_mem>>
      %dma_start3A_147 = arith.constant 0 : i32
      %dma_start3A_148 = arith.constant 0 : i32
      %dma_start3A_149 = tpu.memref_slice %arg22[%dma_start3A_147, %dma_start3A_148] : memref<80x128xf32, #tpu.memory_space<vmem>> -> memref<64x128xf32, #tpu.memory_space<vmem>>
      %dma_start3A_150 = arith.constant 0 : i32
      %dma_start3A_151 = tpu.memref_slice %arg46[%add3A_26, %dma_start3A_150] : memref<10000x128xf32, #tpu.memory_space<vmem_shared>> -> memref<64x128xf32, #tpu.memory_space<vmem_shared>>
      %dma_start3A_152 = arith.constant 0 : i32
      %dma_start3A_153 = tpu.memref_slice %arg46[%add3A_26, %dma_start3A_152] : memref<10000x128xf32, #tpu.memory_space<vmem_shared>> -> memref<64x128xf32, #tpu.memory_space<vmem_shared>>
      %dma_start3A_154 = arith.constant 0 : i32
      %dma_start3A_155 = arith.constant 0 : i32
      %dma_start3A_156 = tpu.memref_slice %arg22[%dma_start3A_154, %dma_start3A_155] : memref<80x128xf32, #tpu.memory_space<vmem>> -> memref<64x128xf32, #tpu.memory_space<vmem>>
      tpu.enqueue_dma source(%dma_start3A_156 : memref<64x128xf32, #tpu.memory_space<vmem>>) target(%dma_start3A_153 : memref<64x128xf32, #tpu.memory_space<vmem_shared>>) target_semaphore(%run_scoped3A : memref<!tpu.dma_semaphore, #tpu.memory_space<semaphore_mem>>)
      %dma_wait3A_157 = arith.constant 0 : i32
      %dma_wait3A_158 = arith.constant 0 : i32
      %dma_wait3A_159 = tpu.memref_slice %arg22[%dma_wait3A_157, %dma_wait3A_158] : memref<80x128xf32, #tpu.memory_space<vmem>> -> memref<64x128xf32, #tpu.memory_space<vmem>>
      %dma_wait3A_160 = arith.constant 0 : i32
      %dma_wait3A_161 = tpu.memref_slice %arg46[%add3A_26, %dma_wait3A_160] : memref<10000x128xf32, #tpu.memory_space<vmem_shared>> -> memref<64x128xf32, #tpu.memory_space<vmem_shared>>
      %dma_wait3A_162 = arith.constant 0 : i32
      %dma_wait3A_163 = tpu.memref_slice %arg46[%add3A_26, %dma_wait3A_162] : memref<10000x128xf32, #tpu.memory_space<vmem_shared>> -> memref<64x128xf32, #tpu.memory_space<vmem_shared>>
      %dma_wait3A_164 = arith.constant 0 : i32
      %dma_wait3A_165 = arith.constant 0 : i32
      %dma_wait3A_166 = tpu.memref_slice %arg22[%dma_wait3A_164, %dma_wait3A_165] : memref<80x128xf32, #tpu.memory_space<vmem>> -> memref<64x128xf32, #tpu.memory_space<vmem>>
      tpu.wait_dma2 semaphore(%run_scoped3A : memref<!tpu.dma_semaphore, #tpu.memory_space<semaphore_mem>>) src(%dma_wait3A_166 : memref<64x128xf32, #tpu.memory_space<vmem>>) dst(%dma_wait3A_163 : memref<64x128xf32, #tpu.memory_space<vmem_shared>>)
      tpu.yield
    }) : () -> ()
    %eq3A = arith.constant 0 : i32
    %eq3A_27 = arith.cmpi eq, %arg1, %eq3A : i32
    %convert_element_type3A = arith.extui %eq3A_27 : i1 to i32
    %cond3A = arith.constant 0 : i32
    %cond3A_28 = arith.cmpi ne, %convert_element_type3A, %cond3A : i32
    scf.if %cond3A_28 {
      "tpu.region"() ({
        %run_scoped3A = tpu.sem_alloc : memref<!tpu.dma_semaphore, #tpu.memory_space<semaphore_mem>>
        %dma_start3A_147 = arith.constant 0 : i32
        %dma_start3A_148 = arith.constant 0 : i32
        %dma_start3A_149 = tpu.memref_slice %arg22[%dma_start3A_147, %dma_start3A_148] : memref<80x128xf32, #tpu.memory_space<vmem>> -> memref<16x128xf32, #tpu.memory_space<vmem>>
        %dma_start3A_150 = arith.constant 9984 : i32
        %dma_start3A_151 = arith.constant 0 : i32
        %dma_start3A_152 = tpu.memref_slice %arg46[%dma_start3A_150, %dma_start3A_151] : memref<10000x128xf32, #tpu.memory_space<vmem_shared>> -> memref<16x128xf32, #tpu.memory_space<vmem_shared>>
        %dma_start3A_153 = arith.constant 9984 : i32
        %dma_start3A_154 = arith.constant 0 : i32
        %dma_start3A_155 = tpu.memref_slice %arg46[%dma_start3A_153, %dma_start3A_154] : memref<10000x128xf32, #tpu.memory_space<vmem_shared>> -> memref<16x128xf32, #tpu.memory_space<vmem_shared>>
        %dma_start3A_156 = arith.constant 0 : i32
        %dma_start3A_157 = arith.constant 0 : i32
        %dma_start3A_158 = tpu.memref_slice %arg22[%dma_start3A_156, %dma_start3A_157] : memref<80x128xf32, #tpu.memory_space<vmem>> -> memref<16x128xf32, #tpu.memory_space<vmem>>
        tpu.enqueue_dma source(%dma_start3A_158 : memref<16x128xf32, #tpu.memory_space<vmem>>) target(%dma_start3A_155 : memref<16x128xf32, #tpu.memory_space<vmem_shared>>) target_semaphore(%run_scoped3A : memref<!tpu.dma_semaphore, #tpu.memory_space<semaphore_mem>>)
        %dma_wait3A_159 = arith.constant 0 : i32
        %dma_wait3A_160 = arith.constant 0 : i32
        %dma_wait3A_161 = tpu.memref_slice %arg22[%dma_wait3A_159, %dma_wait3A_160] : memref<80x128xf32, #tpu.memory_space<vmem>> -> memref<16x128xf32, #tpu.memory_space<vmem>>
        %dma_wait3A_162 = arith.constant 9984 : i32
        %dma_wait3A_163 = arith.constant 0 : i32
        %dma_wait3A_164 = tpu.memref_slice %arg46[%dma_wait3A_162, %dma_wait3A_163] : memref<10000x128xf32, #tpu.memory_space<vmem_shared>> -> memref<16x128xf32, #tpu.memory_space<vmem_shared>>
        %dma_wait3A_165 = arith.constant 9984 : i32
        %dma_wait3A_166 = arith.constant 0 : i32
        %dma_wait3A_167 = tpu.memref_slice %arg46[%dma_wait3A_165, %dma_wait3A_166] : memref<10000x128xf32, #tpu.memory_space<vmem_shared>> -> memref<16x128xf32, #tpu.memory_space<vmem_shared>>
        %dma_wait3A_168 = arith.constant 0 : i32
        %dma_wait3A_169 = arith.constant 0 : i32
        %dma_wait3A_170 = tpu.memref_slice %arg22[%dma_wait3A_168, %dma_wait3A_169] : memref<80x128xf32, #tpu.memory_space<vmem>> -> memref<16x128xf32, #tpu.memory_space<vmem>>
        tpu.wait_dma2 semaphore(%run_scoped3A : memref<!tpu.dma_semaphore, #tpu.memory_space<semaphore_mem>>) src(%dma_wait3A_170 : memref<16x128xf32, #tpu.memory_space<vmem>>) dst(%dma_wait3A_167 : memref<16x128xf32, #tpu.memory_space<vmem_shared>>)
        tpu.yield
      }) : () -> ()
    } else {
    }
    %add3A_29 = arith.constant 0 : i32
    %add3A_30 = arith.addi %mul3A_2, %add3A_29 : i32
    %dma_start3A = tpu.memref_slice %arg2[%add3A_30] : memref<320000xi32, #tpu.memory_space<hbm>> -> memref<80xi32, #tpu.memory_space<hbm>>
    %dma_start3A_31 = tpu.memref_slice %arg2[%add3A_30] : memref<320000xi32, #tpu.memory_space<hbm>> -> memref<80xi32, #tpu.memory_space<hbm>>
    tpu.enqueue_dma source(%dma_start3A_31 : memref<80xi32, #tpu.memory_space<hbm>>) target(%arg6 : memref<80xi32, #tpu.memory_space<vmem>>) target_semaphore(%arg26 : memref<!tpu.dma_semaphore, #tpu.memory_space<semaphore_mem>>)
    %dma_start3A_32 = tpu.memref_slice %arg3[%add3A_30] : memref<320000xi32, #tpu.memory_space<hbm>> -> memref<80xi32, #tpu.memory_space<hbm>>
    %dma_start3A_33 = tpu.memref_slice %arg3[%add3A_30] : memref<320000xi32, #tpu.memory_space<hbm>> -> memref<80xi32, #tpu.memory_space<hbm>>
    tpu.enqueue_dma source(%dma_start3A_33 : memref<80xi32, #tpu.memory_space<hbm>>) target(%arg14 : memref<80xi32, #tpu.memory_space<vmem>>) target_semaphore(%arg34 : memref<!tpu.dma_semaphore, #tpu.memory_space<semaphore_mem>>)
    %add3A_34 = arith.constant 80 : i32
    %add3A_35 = arith.addi %mul3A_2, %add3A_34 : i32
    %dma_start3A_36 = tpu.memref_slice %arg2[%add3A_35] : memref<320000xi32, #tpu.memory_space<hbm>> -> memref<80xi32, #tpu.memory_space<hbm>>
    %dma_start3A_37 = tpu.memref_slice %arg2[%add3A_35] : memref<320000xi32, #tpu.memory_space<hbm>> -> memref<80xi32, #tpu.memory_space<hbm>>
    tpu.enqueue_dma source(%dma_start3A_37 : memref<80xi32, #tpu.memory_space<hbm>>) target(%arg7 : memref<80xi32, #tpu.memory_space<vmem>>) target_semaphore(%arg27 : memref<!tpu.dma_semaphore, #tpu.memory_space<semaphore_mem>>)
    %dma_start3A_38 = tpu.memref_slice %arg3[%add3A_35] : memref<320000xi32, #tpu.memory_space<hbm>> -> memref<80xi32, #tpu.memory_space<hbm>>
    %dma_start3A_39 = tpu.memref_slice %arg3[%add3A_35] : memref<320000xi32, #tpu.memory_space<hbm>> -> memref<80xi32, #tpu.memory_space<hbm>>
    tpu.enqueue_dma source(%dma_start3A_39 : memref<80xi32, #tpu.memory_space<hbm>>) target(%arg15 : memref<80xi32, #tpu.memory_space<vmem>>) target_semaphore(%arg35 : memref<!tpu.dma_semaphore, #tpu.memory_space<semaphore_mem>>)
    %add3A_40 = arith.constant 160 : i32
    %add3A_41 = arith.addi %mul3A_2, %add3A_40 : i32
    %dma_start3A_42 = tpu.memref_slice %arg2[%add3A_41] : memref<320000xi32, #tpu.memory_space<hbm>> -> memref<80xi32, #tpu.memory_space<hbm>>
    %dma_start3A_43 = tpu.memref_slice %arg2[%add3A_41] : memref<320000xi32, #tpu.memory_space<hbm>> -> memref<80xi32, #tpu.memory_space<hbm>>
    tpu.enqueue_dma source(%dma_start3A_43 : memref<80xi32, #tpu.memory_space<hbm>>) target(%arg8 : memref<80xi32, #tpu.memory_space<vmem>>) target_semaphore(%arg28 : memref<!tpu.dma_semaphore, #tpu.memory_space<semaphore_mem>>)
    %dma_start3A_44 = tpu.memref_slice %arg3[%add3A_41] : memref<320000xi32, #tpu.memory_space<hbm>> -> memref<80xi32, #tpu.memory_space<hbm>>
    %dma_start3A_45 = tpu.memref_slice %arg3[%add3A_41] : memref<320000xi32, #tpu.memory_space<hbm>> -> memref<80xi32, #tpu.memory_space<hbm>>
    tpu.enqueue_dma source(%dma_start3A_45 : memref<80xi32, #tpu.memory_space<hbm>>) target(%arg16 : memref<80xi32, #tpu.memory_space<vmem>>) target_semaphore(%arg36 : memref<!tpu.dma_semaphore, #tpu.memory_space<semaphore_mem>>)
    %add3A_46 = arith.constant 240 : i32
    %add3A_47 = arith.addi %mul3A_2, %add3A_46 : i32
    %dma_start3A_48 = tpu.memref_slice %arg2[%add3A_47] : memref<320000xi32, #tpu.memory_space<hbm>> -> memref<80xi32, #tpu.memory_space<hbm>>
    %dma_start3A_49 = tpu.memref_slice %arg2[%add3A_47] : memref<320000xi32, #tpu.memory_space<hbm>> -> memref<80xi32, #tpu.memory_space<hbm>>
    tpu.enqueue_dma source(%dma_start3A_49 : memref<80xi32, #tpu.memory_space<hbm>>) target(%arg9 : memref<80xi32, #tpu.memory_space<vmem>>) target_semaphore(%arg29 : memref<!tpu.dma_semaphore, #tpu.memory_space<semaphore_mem>>)
    %dma_start3A_50 = tpu.memref_slice %arg3[%add3A_47] : memref<320000xi32, #tpu.memory_space<hbm>> -> memref<80xi32, #tpu.memory_space<hbm>>
    %dma_start3A_51 = tpu.memref_slice %arg3[%add3A_47] : memref<320000xi32, #tpu.memory_space<hbm>> -> memref<80xi32, #tpu.memory_space<hbm>>
    tpu.enqueue_dma source(%dma_start3A_51 : memref<80xi32, #tpu.memory_space<hbm>>) target(%arg17 : memref<80xi32, #tpu.memory_space<vmem>>) target_semaphore(%arg37 : memref<!tpu.dma_semaphore, #tpu.memory_space<semaphore_mem>>)
    %add3A_52 = arith.constant 320 : i32
    %add3A_53 = arith.addi %mul3A_2, %add3A_52 : i32
    %dma_start3A_54 = tpu.memref_slice %arg2[%add3A_53] : memref<320000xi32, #tpu.memory_space<hbm>> -> memref<80xi32, #tpu.memory_space<hbm>>
    %dma_start3A_55 = tpu.memref_slice %arg2[%add3A_53] : memref<320000xi32, #tpu.memory_space<hbm>> -> memref<80xi32, #tpu.memory_space<hbm>>
    tpu.enqueue_dma source(%dma_start3A_55 : memref<80xi32, #tpu.memory_space<hbm>>) target(%arg10 : memref<80xi32, #tpu.memory_space<vmem>>) target_semaphore(%arg30 : memref<!tpu.dma_semaphore, #tpu.memory_space<semaphore_mem>>)
    %dma_start3A_56 = tpu.memref_slice %arg3[%add3A_53] : memref<320000xi32, #tpu.memory_space<hbm>> -> memref<80xi32, #tpu.memory_space<hbm>>
    %dma_start3A_57 = tpu.memref_slice %arg3[%add3A_53] : memref<320000xi32, #tpu.memory_space<hbm>> -> memref<80xi32, #tpu.memory_space<hbm>>
    tpu.enqueue_dma source(%dma_start3A_57 : memref<80xi32, #tpu.memory_space<hbm>>) target(%arg18 : memref<80xi32, #tpu.memory_space<vmem>>) target_semaphore(%arg38 : memref<!tpu.dma_semaphore, #tpu.memory_space<semaphore_mem>>)
    %add3A_58 = arith.constant 400 : i32
    %add3A_59 = arith.addi %mul3A_2, %add3A_58 : i32
    %dma_start3A_60 = tpu.memref_slice %arg2[%add3A_59] : memref<320000xi32, #tpu.memory_space<hbm>> -> memref<80xi32, #tpu.memory_space<hbm>>
    %dma_start3A_61 = tpu.memref_slice %arg2[%add3A_59] : memref<320000xi32, #tpu.memory_space<hbm>> -> memref<80xi32, #tpu.memory_space<hbm>>
    tpu.enqueue_dma source(%dma_start3A_61 : memref<80xi32, #tpu.memory_space<hbm>>) target(%arg11 : memref<80xi32, #tpu.memory_space<vmem>>) target_semaphore(%arg31 : memref<!tpu.dma_semaphore, #tpu.memory_space<semaphore_mem>>)
    %dma_start3A_62 = tpu.memref_slice %arg3[%add3A_59] : memref<320000xi32, #tpu.memory_space<hbm>> -> memref<80xi32, #tpu.memory_space<hbm>>
    %dma_start3A_63 = tpu.memref_slice %arg3[%add3A_59] : memref<320000xi32, #tpu.memory_space<hbm>> -> memref<80xi32, #tpu.memory_space<hbm>>
    tpu.enqueue_dma source(%dma_start3A_63 : memref<80xi32, #tpu.memory_space<hbm>>) target(%arg19 : memref<80xi32, #tpu.memory_space<vmem>>) target_semaphore(%arg39 : memref<!tpu.dma_semaphore, #tpu.memory_space<semaphore_mem>>)
    %add3A_64 = arith.constant 480 : i32
    %add3A_65 = arith.addi %mul3A_2, %add3A_64 : i32
    %dma_start3A_66 = tpu.memref_slice %arg2[%add3A_65] : memref<320000xi32, #tpu.memory_space<hbm>> -> memref<80xi32, #tpu.memory_space<hbm>>
    %dma_start3A_67 = tpu.memref_slice %arg2[%add3A_65] : memref<320000xi32, #tpu.memory_space<hbm>> -> memref<80xi32, #tpu.memory_space<hbm>>
    tpu.enqueue_dma source(%dma_start3A_67 : memref<80xi32, #tpu.memory_space<hbm>>) target(%arg12 : memref<80xi32, #tpu.memory_space<vmem>>) target_semaphore(%arg32 : memref<!tpu.dma_semaphore, #tpu.memory_space<semaphore_mem>>)
    %dma_start3A_68 = tpu.memref_slice %arg3[%add3A_65] : memref<320000xi32, #tpu.memory_space<hbm>> -> memref<80xi32, #tpu.memory_space<hbm>>
    %dma_start3A_69 = tpu.memref_slice %arg3[%add3A_65] : memref<320000xi32, #tpu.memory_space<hbm>> -> memref<80xi32, #tpu.memory_space<hbm>>
    tpu.enqueue_dma source(%dma_start3A_69 : memref<80xi32, #tpu.memory_space<hbm>>) target(%arg20 : memref<80xi32, #tpu.memory_space<vmem>>) target_semaphore(%arg40 : memref<!tpu.dma_semaphore, #tpu.memory_space<semaphore_mem>>)
    %add3A_70 = arith.constant 560 : i32
    %add3A_71 = arith.addi %mul3A_2, %add3A_70 : i32
    %dma_start3A_72 = tpu.memref_slice %arg2[%add3A_71] : memref<320000xi32, #tpu.memory_space<hbm>> -> memref<80xi32, #tpu.memory_space<hbm>>
    %dma_start3A_73 = tpu.memref_slice %arg2[%add3A_71] : memref<320000xi32, #tpu.memory_space<hbm>> -> memref<80xi32, #tpu.memory_space<hbm>>
    tpu.enqueue_dma source(%dma_start3A_73 : memref<80xi32, #tpu.memory_space<hbm>>) target(%arg13 : memref<80xi32, #tpu.memory_space<vmem>>) target_semaphore(%arg33 : memref<!tpu.dma_semaphore, #tpu.memory_space<semaphore_mem>>)
    %dma_start3A_74 = tpu.memref_slice %arg3[%add3A_71] : memref<320000xi32, #tpu.memory_space<hbm>> -> memref<80xi32, #tpu.memory_space<hbm>>
    %dma_start3A_75 = tpu.memref_slice %arg3[%add3A_71] : memref<320000xi32, #tpu.memory_space<hbm>> -> memref<80xi32, #tpu.memory_space<hbm>>
    tpu.enqueue_dma source(%dma_start3A_75 : memref<80xi32, #tpu.memory_space<hbm>>) target(%arg21 : memref<80xi32, #tpu.memory_space<vmem>>) target_semaphore(%arg41 : memref<!tpu.dma_semaphore, #tpu.memory_space<semaphore_mem>>)
    %barrier3A = arith.constant 0 : index
    tpu.barrier barrier_id(%barrier3A)
    %add3A_76 = arith.constant 0 : i32
    %add3A_77 = arith.addi %mul3A_2, %add3A_76 : i32
    %dma_wait3A = tpu.memref_slice %arg2[%add3A_77] : memref<320000xi32, #tpu.memory_space<hbm>> -> memref<80xi32, #tpu.memory_space<hbm>>
    %dma_wait3A_78 = tpu.memref_slice %arg2[%add3A_77] : memref<320000xi32, #tpu.memory_space<hbm>> -> memref<80xi32, #tpu.memory_space<hbm>>
    tpu.wait_dma2 semaphore(%arg26 : memref<!tpu.dma_semaphore, #tpu.memory_space<semaphore_mem>>) src(%dma_wait3A_78 : memref<80xi32, #tpu.memory_space<hbm>>) dst(%arg6 : memref<80xi32, #tpu.memory_space<vmem>>)
    %dma_wait3A_79 = tpu.memref_slice %arg3[%add3A_77] : memref<320000xi32, #tpu.memory_space<hbm>> -> memref<80xi32, #tpu.memory_space<hbm>>
    %dma_wait3A_80 = tpu.memref_slice %arg3[%add3A_77] : memref<320000xi32, #tpu.memory_space<hbm>> -> memref<80xi32, #tpu.memory_space<hbm>>
    tpu.wait_dma2 semaphore(%arg34 : memref<!tpu.dma_semaphore, #tpu.memory_space<semaphore_mem>>) src(%dma_wait3A_80 : memref<80xi32, #tpu.memory_space<hbm>>) dst(%arg14 : memref<80xi32, #tpu.memory_space<vmem>>)
    %dma_start3A_81 = arith.constant 0 : i32
    %dma_start3A_82 = arith.constant 0 : i32
    %dma_start3A_83 = tpu.memref_slice %arg4[%dma_start3A_81, %dma_start3A_82] : memref<10000x128xf32, #tpu.memory_space<hbm>> -> memref<10000x128xf32, #tpu.memory_space<hbm>>
    tpu.enqueue_indirect_dma source(%dma_start3A_83 : memref<10000x128xf32, #tpu.memory_space<hbm>>) target(%arg22 : memref<80x128xf32, #tpu.memory_space<vmem>>) offsets(%arg6 : memref<80xi32, #tpu.memory_space<vmem>>) semaphore(%arg42 : memref<!tpu.dma_semaphore, #tpu.memory_space<semaphore_mem>>)
    %add3A_84 = arith.constant 80 : i32
    %add3A_85 = arith.addi %mul3A_2, %add3A_84 : i32
    %dma_wait3A_86 = tpu.memref_slice %arg2[%add3A_85] : memref<320000xi32, #tpu.memory_space<hbm>> -> memref<80xi32, #tpu.memory_space<hbm>>
    %dma_wait3A_87 = tpu.memref_slice %arg2[%add3A_85] : memref<320000xi32, #tpu.memory_space<hbm>> -> memref<80xi32, #tpu.memory_space<hbm>>
    tpu.wait_dma2 semaphore(%arg27 : memref<!tpu.dma_semaphore, #tpu.memory_space<semaphore_mem>>) src(%dma_wait3A_87 : memref<80xi32, #tpu.memory_space<hbm>>) dst(%arg7 : memref<80xi32, #tpu.memory_space<vmem>>)
    %dma_wait3A_88 = tpu.memref_slice %arg3[%add3A_85] : memref<320000xi32, #tpu.memory_space<hbm>> -> memref<80xi32, #tpu.memory_space<hbm>>
    %dma_wait3A_89 = tpu.memref_slice %arg3[%add3A_85] : memref<320000xi32, #tpu.memory_space<hbm>> -> memref<80xi32, #tpu.memory_space<hbm>>
    tpu.wait_dma2 semaphore(%arg35 : memref<!tpu.dma_semaphore, #tpu.memory_space<semaphore_mem>>) src(%dma_wait3A_89 : memref<80xi32, #tpu.memory_space<hbm>>) dst(%arg15 : memref<80xi32, #tpu.memory_space<vmem>>)
    %dma_start3A_90 = arith.constant 0 : i32
    %dma_start3A_91 = arith.constant 0 : i32
    %dma_start3A_92 = tpu.memref_slice %arg4[%dma_start3A_90, %dma_start3A_91] : memref<10000x128xf32, #tpu.memory_space<hbm>> -> memref<10000x128xf32, #tpu.memory_space<hbm>>
    tpu.enqueue_indirect_dma source(%dma_start3A_92 : memref<10000x128xf32, #tpu.memory_space<hbm>>) target(%arg23 : memref<80x128xf32, #tpu.memory_space<vmem>>) offsets(%arg7 : memref<80xi32, #tpu.memory_space<vmem>>) semaphore(%arg43 : memref<!tpu.dma_semaphore, #tpu.memory_space<semaphore_mem>>)
    %add3A_93 = arith.constant 160 : i32
    %add3A_94 = arith.addi %mul3A_2, %add3A_93 : i32
    %dma_wait3A_95 = tpu.memref_slice %arg2[%add3A_94] : memref<320000xi32, #tpu.memory_space<hbm>> -> memref<80xi32, #tpu.memory_space<hbm>>
    %dma_wait3A_96 = tpu.memref_slice %arg2[%add3A_94] : memref<320000xi32, #tpu.memory_space<hbm>> -> memref<80xi32, #tpu.memory_space<hbm>>
    tpu.wait_dma2 semaphore(%arg28 : memref<!tpu.dma_semaphore, #tpu.memory_space<semaphore_mem>>) src(%dma_wait3A_96 : memref<80xi32, #tpu.memory_space<hbm>>) dst(%arg8 : memref<80xi32, #tpu.memory_space<vmem>>)
    %dma_wait3A_97 = tpu.memref_slice %arg3[%add3A_94] : memref<320000xi32, #tpu.memory_space<hbm>> -> memref<80xi32, #tpu.memory_space<hbm>>
    %dma_wait3A_98 = tpu.memref_slice %arg3[%add3A_94] : memref<320000xi32, #tpu.memory_space<hbm>> -> memref<80xi32, #tpu.memory_space<hbm>>
    tpu.wait_dma2 semaphore(%arg36 : memref<!tpu.dma_semaphore, #tpu.memory_space<semaphore_mem>>) src(%dma_wait3A_98 : memref<80xi32, #tpu.memory_space<hbm>>) dst(%arg16 : memref<80xi32, #tpu.memory_space<vmem>>)
    %dma_start3A_99 = arith.constant 0 : i32
    %dma_start3A_100 = arith.constant 0 : i32
    %dma_start3A_101 = tpu.memref_slice %arg4[%dma_start3A_99, %dma_start3A_100] : memref<10000x128xf32, #tpu.memory_space<hbm>> -> memref<10000x128xf32, #tpu.memory_space<hbm>>
    tpu.enqueue_indirect_dma source(%dma_start3A_101 : memref<10000x128xf32, #tpu.memory_space<hbm>>) target(%arg24 : memref<80x128xf32, #tpu.memory_space<vmem>>) offsets(%arg8 : memref<80xi32, #tpu.memory_space<vmem>>) semaphore(%arg44 : memref<!tpu.dma_semaphore, #tpu.memory_space<semaphore_mem>>)
    %scan3A_102 = arith.constant 0 : i32
    %scan3A_103 = arith.constant 0 : i32
    %scan3A_104 = arith.constant 15 : i32
    %scan3A_105 = arith.addi %scan3A_103, %scan3A_104 : i32
    %scan3A_106 = arith.constant 1 : i32
    scf.for %scan3A_147 = %scan3A_103 to %scan3A_105 step %scan3A_106  : i32 {
      %mul3A_148 = arith.constant 8 : i32
      %mul3A_149 = arith.muli %scan3A_147, %mul3A_148 : i32
      %add3A_150 = arith.constant 0 : i32
      %add3A_151 = arith.addi %mul3A_149, %add3A_150 : i32
      %dma_wait3A_152 = arith.constant 0 : i32
      %dma_wait3A_153 = arith.constant 0 : i32
      %dma_wait3A_154 = tpu.memref_slice %arg4[%dma_wait3A_152, %dma_wait3A_153] : memref<10000x128xf32, #tpu.memory_space<hbm>> -> memref<10000x128xf32, #tpu.memory_space<hbm>>
      tpu.wait_indirect_dma semaphore(%arg42 : memref<!tpu.dma_semaphore, #tpu.memory_space<semaphore_mem>>) src(%dma_wait3A_154 : memref<10000x128xf32, #tpu.memory_space<hbm>>) dst(%arg22 : memref<80x128xf32, #tpu.memory_space<vmem>>)
      %add3A_155 = arith.constant 3 : i32
      %add3A_156 = arith.addi %add3A_151, %add3A_155 : i32
      %lt3A = arith.constant 125 : i32
      %lt3A_157 = arith.cmpi slt, %add3A_156, %lt3A : i32
      %convert_element_type3A_158 = arith.extui %lt3A_157 : i1 to i32
      %cond3A_159 = arith.constant 0 : i32
      %cond3A_160 = arith.cmpi ne, %convert_element_type3A_158, %cond3A_159 : i32
      scf.if %cond3A_160 {
        %add3A_301 = arith.constant 3 : i32
        %add3A_302 = arith.addi %add3A_151, %add3A_301 : i32
        %mul3A_303 = arith.constant 80 : i32
        %mul3A_304 = arith.muli %add3A_302, %mul3A_303 : i32
        %add3A_305 = arith.addi %mul3A_2, %mul3A_304 : i32
        %dma_wait3A_306 = tpu.memref_slice %arg2[%add3A_305] : memref<320000xi32, #tpu.memory_space<hbm>> -> memref<80xi32, #tpu.memory_space<hbm>>
        %dma_wait3A_307 = tpu.memref_slice %arg2[%add3A_305] : memref<320000xi32, #tpu.memory_space<hbm>> -> memref<80xi32, #tpu.memory_space<hbm>>
        tpu.wait_dma2 semaphore(%arg29 : memref<!tpu.dma_semaphore, #tpu.memory_space<semaphore_mem>>) src(%dma_wait3A_307 : memref<80xi32, #tpu.memory_space<hbm>>) dst(%arg9 : memref<80xi32, #tpu.memory_space<vmem>>)
        %dma_wait3A_308 = tpu.memref_slice %arg3[%add3A_305] : memref<320000xi32, #tpu.memory_space<hbm>> -> memref<80xi32, #tpu.memory_space<hbm>>
        %dma_wait3A_309 = tpu.memref_slice %arg3[%add3A_305] : memref<320000xi32, #tpu.memory_space<hbm>> -> memref<80xi32, #tpu.memory_space<hbm>>
        tpu.wait_dma2 semaphore(%arg37 : memref<!tpu.dma_semaphore, #tpu.memory_space<semaphore_mem>>) src(%dma_wait3A_309 : memref<80xi32, #tpu.memory_space<hbm>>) dst(%arg17 : memref<80xi32, #tpu.memory_space<vmem>>)
        %add3A_310 = arith.constant 3 : i32
        %add3A_311 = arith.addi %add3A_151, %add3A_310 : i32
        %dma_start3A_312 = arith.constant 0 : i32
        %dma_start3A_313 = arith.constant 0 : i32
        %dma_start3A_314 = tpu.memref_slice %arg4[%dma_start3A_312, %dma_start3A_313] : memref<10000x128xf32, #tpu.memory_space<hbm>> -> memref<10000x128xf32, #tpu.memory_space<hbm>>
        tpu.enqueue_indirect_dma source(%dma_start3A_314 : memref<10000x128xf32, #tpu.memory_space<hbm>>) target(%arg25 : memref<80x128xf32, #tpu.memory_space<vmem>>) offsets(%arg9 : memref<80xi32, #tpu.memory_space<vmem>>) semaphore(%arg45 : memref<!tpu.dma_semaphore, #tpu.memory_space<semaphore_mem>>)
      } else {
      }
      "tpu.region"() ({
        %run_scoped3A = tpu.sem_alloc : memref<!tpu.dma_semaphore, #tpu.memory_space<semaphore_mem>>
        %dma_start3A_301 = arith.constant 0 : i32
        %dma_start3A_302 = arith.constant 0 : i32
        %dma_start3A_303 = tpu.memref_slice %arg46[%dma_start3A_301, %dma_start3A_302] : memref<10000x128xf32, #tpu.memory_space<vmem_shared>> -> memref<10000x128xf32, #tpu.memory_space<vmem_shared>>
        tpu.enqueue_indirect_dma source(%arg22 : memref<80x128xf32, #tpu.memory_space<vmem>>) target(%dma_start3A_303 : memref<10000x128xf32, #tpu.memory_space<vmem_shared>>) offsets(%arg14 : memref<80xi32, #tpu.memory_space<vmem>>) semaphore(%run_scoped3A : memref<!tpu.dma_semaphore, #tpu.memory_space<semaphore_mem>>) {add = true}
        %dma_wait3A_304 = arith.constant 0 : i32
        %dma_wait3A_305 = arith.constant 0 : i32
        %dma_wait3A_306 = tpu.memref_slice %arg46[%dma_wait3A_304, %dma_wait3A_305] : memref<10000x128xf32, #tpu.memory_space<vmem_shared>> -> memref<10000x128xf32, #tpu.memory_space<vmem_shared>>
        tpu.wait_indirect_dma semaphore(%run_scoped3A : memref<!tpu.dma_semaphore, #tpu.memory_space<semaphore_mem>>) src(%arg22 : memref<80x128xf32, #tpu.memory_space<vmem>>) dst(%dma_wait3A_306 : memref<10000x128xf32, #tpu.memory_space<vmem_shared>>)
        tpu.yield
      }) : () -> ()
      %add3A_161 = arith.constant 8 : i32
      %add3A_162 = arith.addi %add3A_151, %add3A_161 : i32
      %lt3A_163 = arith.constant 125 : i32
      %lt3A_164 = arith.cmpi slt, %add3A_162, %lt3A_163 : i32
      %convert_element_type3A_165 = arith.extui %lt3A_164 : i1 to i32
      %cond3A_166 = arith.constant 0 : i32
      %cond3A_167 = arith.cmpi ne, %convert_element_type3A_165, %cond3A_166 : i32
      scf.if %cond3A_167 {
        %add3A_301 = arith.constant 8 : i32
        %add3A_302 = arith.addi %add3A_151, %add3A_301 : i32
        %mul3A_303 = arith.constant 80 : i32
        %mul3A_304 = arith.muli %add3A_302, %mul3A_303 : i32
        %add3A_305 = arith.addi %mul3A_2, %mul3A_304 : i32
        %dma_start3A_306 = tpu.memref_slice %arg2[%add3A_305] : memref<320000xi32, #tpu.memory_space<hbm>> -> memref<80xi32, #tpu.memory_space<hbm>>
        %dma_start3A_307 = tpu.memref_slice %arg2[%add3A_305] : memref<320000xi32, #tpu.memory_space<hbm>> -> memref<80xi32, #tpu.memory_space<hbm>>
        tpu.enqueue_dma source(%dma_start3A_307 : memref<80xi32, #tpu.memory_space<hbm>>) target(%arg6 : memref<80xi32, #tpu.memory_space<vmem>>) target_semaphore(%arg26 : memref<!tpu.dma_semaphore, #tpu.memory_space<semaphore_mem>>)
        %dma_start3A_308 = tpu.memref_slice %arg3[%add3A_305] : memref<320000xi32, #tpu.memory_space<hbm>> -> memref<80xi32, #tpu.memory_space<hbm>>
        %dma_start3A_309 = tpu.memref_slice %arg3[%add3A_305] : memref<320000xi32, #tpu.memory_space<hbm>> -> memref<80xi32, #tpu.memory_space<hbm>>
        tpu.enqueue_dma source(%dma_start3A_309 : memref<80xi32, #tpu.memory_space<hbm>>) target(%arg14 : memref<80xi32, #tpu.memory_space<vmem>>) target_semaphore(%arg34 : memref<!tpu.dma_semaphore, #tpu.memory_space<semaphore_mem>>)
      } else {
      }
      %add3A_168 = arith.constant 1 : i32
      %add3A_169 = arith.addi %mul3A_149, %add3A_168 : i32
      %dma_wait3A_170 = arith.constant 0 : i32
      %dma_wait3A_171 = arith.constant 0 : i32
      %dma_wait3A_172 = tpu.memref_slice %arg4[%dma_wait3A_170, %dma_wait3A_171] : memref<10000x128xf32, #tpu.memory_space<hbm>> -> memref<10000x128xf32, #tpu.memory_space<hbm>>
      tpu.wait_indirect_dma semaphore(%arg43 : memref<!tpu.dma_semaphore, #tpu.memory_space<semaphore_mem>>) src(%dma_wait3A_172 : memref<10000x128xf32, #tpu.memory_space<hbm>>) dst(%arg23 : memref<80x128xf32, #tpu.memory_space<vmem>>)
      %add3A_173 = arith.constant 3 : i32
      %add3A_174 = arith.addi %add3A_169, %add3A_173 : i32
      %lt3A_175 = arith.constant 125 : i32
      %lt3A_176 = arith.cmpi slt, %add3A_174, %lt3A_175 : i32
      %convert_element_type3A_177 = arith.extui %lt3A_176 : i1 to i32
      %cond3A_178 = arith.constant 0 : i32
      %cond3A_179 = arith.cmpi ne, %convert_element_type3A_177, %cond3A_178 : i32
      scf.if %cond3A_179 {
        %add3A_301 = arith.constant 3 : i32
        %add3A_302 = arith.addi %add3A_169, %add3A_301 : i32
        %mul3A_303 = arith.constant 80 : i32
        %mul3A_304 = arith.muli %add3A_302, %mul3A_303 : i32
        %add3A_305 = arith.addi %mul3A_2, %mul3A_304 : i32
        %dma_wait3A_306 = tpu.memref_slice %arg2[%add3A_305] : memref<320000xi32, #tpu.memory_space<hbm>> -> memref<80xi32, #tpu.memory_space<hbm>>
        %dma_wait3A_307 = tpu.memref_slice %arg2[%add3A_305] : memref<320000xi32, #tpu.memory_space<hbm>> -> memref<80xi32, #tpu.memory_space<hbm>>
        tpu.wait_dma2 semaphore(%arg30 : memref<!tpu.dma_semaphore, #tpu.memory_space<semaphore_mem>>) src(%dma_wait3A_307 : memref<80xi32, #tpu.memory_space<hbm>>) dst(%arg10 : memref<80xi32, #tpu.memory_space<vmem>>)
        %dma_wait3A_308 = tpu.memref_slice %arg3[%add3A_305] : memref<320000xi32, #tpu.memory_space<hbm>> -> memref<80xi32, #tpu.memory_space<hbm>>
        %dma_wait3A_309 = tpu.memref_slice %arg3[%add3A_305] : memref<320000xi32, #tpu.memory_space<hbm>> -> memref<80xi32, #tpu.memory_space<hbm>>
        tpu.wait_dma2 semaphore(%arg38 : memref<!tpu.dma_semaphore, #tpu.memory_space<semaphore_mem>>) src(%dma_wait3A_309 : memref<80xi32, #tpu.memory_space<hbm>>) dst(%arg18 : memref<80xi32, #tpu.memory_space<vmem>>)
        %add3A_310 = arith.constant 3 : i32
        %add3A_311 = arith.addi %add3A_169, %add3A_310 : i32
        %dma_start3A_312 = arith.constant 0 : i32
        %dma_start3A_313 = arith.constant 0 : i32
        %dma_start3A_314 = tpu.memref_slice %arg4[%dma_start3A_312, %dma_start3A_313] : memref<10000x128xf32, #tpu.memory_space<hbm>> -> memref<10000x128xf32, #tpu.memory_space<hbm>>
        tpu.enqueue_indirect_dma source(%dma_start3A_314 : memref<10000x128xf32, #tpu.memory_space<hbm>>) target(%arg22 : memref<80x128xf32, #tpu.memory_space<vmem>>) offsets(%arg10 : memref<80xi32, #tpu.memory_space<vmem>>) semaphore(%arg42 : memref<!tpu.dma_semaphore, #tpu.memory_space<semaphore_mem>>)
      } else {
      }
      "tpu.region"() ({
        %run_scoped3A = tpu.sem_alloc : memref<!tpu.dma_semaphore, #tpu.memory_space<semaphore_mem>>
        %dma_start3A_301 = arith.constant 0 : i32
        %dma_start3A_302 = arith.constant 0 : i32
        %dma_start3A_303 = tpu.memref_slice %arg46[%dma_start3A_301, %dma_start3A_302] : memref<10000x128xf32, #tpu.memory_space<vmem_shared>> -> memref<10000x128xf32, #tpu.memory_space<vmem_shared>>
        tpu.enqueue_indirect_dma source(%arg23 : memref<80x128xf32, #tpu.memory_space<vmem>>) target(%dma_start3A_303 : memref<10000x128xf32, #tpu.memory_space<vmem_shared>>) offsets(%arg15 : memref<80xi32, #tpu.memory_space<vmem>>) semaphore(%run_scoped3A : memref<!tpu.dma_semaphore, #tpu.memory_space<semaphore_mem>>) {add = true}
        %dma_wait3A_304 = arith.constant 0 : i32
        %dma_wait3A_305 = arith.constant 0 : i32
        %dma_wait3A_306 = tpu.memref_slice %arg46[%dma_wait3A_304, %dma_wait3A_305] : memref<10000x128xf32, #tpu.memory_space<vmem_shared>> -> memref<10000x128xf32, #tpu.memory_space<vmem_shared>>
        tpu.wait_indirect_dma semaphore(%run_scoped3A : memref<!tpu.dma_semaphore, #tpu.memory_space<semaphore_mem>>) src(%arg23 : memref<80x128xf32, #tpu.memory_space<vmem>>) dst(%dma_wait3A_306 : memref<10000x128xf32, #tpu.memory_space<vmem_shared>>)
        tpu.yield
      }) : () -> ()
      %add3A_180 = arith.constant 8 : i32
      %add3A_181 = arith.addi %add3A_169, %add3A_180 : i32
      %lt3A_182 = arith.constant 125 : i32
      %lt3A_183 = arith.cmpi slt, %add3A_181, %lt3A_182 : i32
      %convert_element_type3A_184 = arith.extui %lt3A_183 : i1 to i32
      %cond3A_185 = arith.constant 0 : i32
      %cond3A_186 = arith.cmpi ne, %convert_element_type3A_184, %cond3A_185 : i32
      scf.if %cond3A_186 {
        %add3A_301 = arith.constant 8 : i32
        %add3A_302 = arith.addi %add3A_169, %add3A_301 : i32
        %mul3A_303 = arith.constant 80 : i32
        %mul3A_304 = arith.muli %add3A_302, %mul3A_303 : i32
        %add3A_305 = arith.addi %mul3A_2, %mul3A_304 : i32
        %dma_start3A_306 = tpu.memref_slice %arg2[%add3A_305] : memref<320000xi32, #tpu.memory_space<hbm>> -> memref<80xi32, #tpu.memory_space<hbm>>
        %dma_start3A_307 = tpu.memref_slice %arg2[%add3A_305] : memref<320000xi32, #tpu.memory_space<hbm>> -> memref<80xi32, #tpu.memory_space<hbm>>
        tpu.enqueue_dma source(%dma_start3A_307 : memref<80xi32, #tpu.memory_space<hbm>>) target(%arg7 : memref<80xi32, #tpu.memory_space<vmem>>) target_semaphore(%arg27 : memref<!tpu.dma_semaphore, #tpu.memory_space<semaphore_mem>>)
        %dma_start3A_308 = tpu.memref_slice %arg3[%add3A_305] : memref<320000xi32, #tpu.memory_space<hbm>> -> memref<80xi32, #tpu.memory_space<hbm>>
        %dma_start3A_309 = tpu.memref_slice %arg3[%add3A_305] : memref<320000xi32, #tpu.memory_space<hbm>> -> memref<80xi32, #tpu.memory_space<hbm>>
        tpu.enqueue_dma source(%dma_start3A_309 : memref<80xi32, #tpu.memory_space<hbm>>) target(%arg15 : memref<80xi32, #tpu.memory_space<vmem>>) target_semaphore(%arg35 : memref<!tpu.dma_semaphore, #tpu.memory_space<semaphore_mem>>)
      } else {
      }
      %add3A_187 = arith.constant 2 : i32
      %add3A_188 = arith.addi %mul3A_149, %add3A_187 : i32
      %dma_wait3A_189 = arith.constant 0 : i32
      %dma_wait3A_190 = arith.constant 0 : i32
      %dma_wait3A_191 = tpu.memref_slice %arg4[%dma_wait3A_189, %dma_wait3A_190] : memref<10000x128xf32, #tpu.memory_space<hbm>> -> memref<10000x128xf32, #tpu.memory_space<hbm>>
      tpu.wait_indirect_dma semaphore(%arg44 : memref<!tpu.dma_semaphore, #tpu.memory_space<semaphore_mem>>) src(%dma_wait3A_191 : memref<10000x128xf32, #tpu.memory_space<hbm>>) dst(%arg24 : memref<80x128xf32, #tpu.memory_space<vmem>>)
      %add3A_192 = arith.constant 3 : i32
      %add3A_193 = arith.addi %add3A_188, %add3A_192 : i32
      %lt3A_194 = arith.constant 125 : i32
      %lt3A_195 = arith.cmpi slt, %add3A_193, %lt3A_194 : i32
      %convert_element_type3A_196 = arith.extui %lt3A_195 : i1 to i32
      %cond3A_197 = arith.constant 0 : i32
      %cond3A_198 = arith.cmpi ne, %convert_element_type3A_196, %cond3A_197 : i32
      scf.if %cond3A_198 {
        %add3A_301 = arith.constant 3 : i32
        %add3A_302 = arith.addi %add3A_188, %add3A_301 : i32
        %mul3A_303 = arith.constant 80 : i32
        %mul3A_304 = arith.muli %add3A_302, %mul3A_303 : i32
        %add3A_305 = arith.addi %mul3A_2, %mul3A_304 : i32
        %dma_wait3A_306 = tpu.memref_slice %arg2[%add3A_305] : memref<320000xi32, #tpu.memory_space<hbm>> -> memref<80xi32, #tpu.memory_space<hbm>>
        %dma_wait3A_307 = tpu.memref_slice %arg2[%add3A_305] : memref<320000xi32, #tpu.memory_space<hbm>> -> memref<80xi32, #tpu.memory_space<hbm>>
        tpu.wait_dma2 semaphore(%arg31 : memref<!tpu.dma_semaphore, #tpu.memory_space<semaphore_mem>>) src(%dma_wait3A_307 : memref<80xi32, #tpu.memory_space<hbm>>) dst(%arg11 : memref<80xi32, #tpu.memory_space<vmem>>)
        %dma_wait3A_308 = tpu.memref_slice %arg3[%add3A_305] : memref<320000xi32, #tpu.memory_space<hbm>> -> memref<80xi32, #tpu.memory_space<hbm>>
        %dma_wait3A_309 = tpu.memref_slice %arg3[%add3A_305] : memref<320000xi32, #tpu.memory_space<hbm>> -> memref<80xi32, #tpu.memory_space<hbm>>
        tpu.wait_dma2 semaphore(%arg39 : memref<!tpu.dma_semaphore, #tpu.memory_space<semaphore_mem>>) src(%dma_wait3A_309 : memref<80xi32, #tpu.memory_space<hbm>>) dst(%arg19 : memref<80xi32, #tpu.memory_space<vmem>>)
        %add3A_310 = arith.constant 3 : i32
        %add3A_311 = arith.addi %add3A_188, %add3A_310 : i32
        %dma_start3A_312 = arith.constant 0 : i32
        %dma_start3A_313 = arith.constant 0 : i32
        %dma_start3A_314 = tpu.memref_slice %arg4[%dma_start3A_312, %dma_start3A_313] : memref<10000x128xf32, #tpu.memory_space<hbm>> -> memref<10000x128xf32, #tpu.memory_space<hbm>>
        tpu.enqueue_indirect_dma source(%dma_start3A_314 : memref<10000x128xf32, #tpu.memory_space<hbm>>) target(%arg23 : memref<80x128xf32, #tpu.memory_space<vmem>>) offsets(%arg11 : memref<80xi32, #tpu.memory_space<vmem>>) semaphore(%arg43 : memref<!tpu.dma_semaphore, #tpu.memory_space<semaphore_mem>>)
      } else {
      }
      "tpu.region"() ({
        %run_scoped3A = tpu.sem_alloc : memref<!tpu.dma_semaphore, #tpu.memory_space<semaphore_mem>>
        %dma_start3A_301 = arith.constant 0 : i32
        %dma_start3A_302 = arith.constant 0 : i32
        %dma_start3A_303 = tpu.memref_slice %arg46[%dma_start3A_301, %dma_start3A_302] : memref<10000x128xf32, #tpu.memory_space<vmem_shared>> -> memref<10000x128xf32, #tpu.memory_space<vmem_shared>>
        tpu.enqueue_indirect_dma source(%arg24 : memref<80x128xf32, #tpu.memory_space<vmem>>) target(%dma_start3A_303 : memref<10000x128xf32, #tpu.memory_space<vmem_shared>>) offsets(%arg16 : memref<80xi32, #tpu.memory_space<vmem>>) semaphore(%run_scoped3A : memref<!tpu.dma_semaphore, #tpu.memory_space<semaphore_mem>>) {add = true}
        %dma_wait3A_304 = arith.constant 0 : i32
        %dma_wait3A_305 = arith.constant 0 : i32
        %dma_wait3A_306 = tpu.memref_slice %arg46[%dma_wait3A_304, %dma_wait3A_305] : memref<10000x128xf32, #tpu.memory_space<vmem_shared>> -> memref<10000x128xf32, #tpu.memory_space<vmem_shared>>
        tpu.wait_indirect_dma semaphore(%run_scoped3A : memref<!tpu.dma_semaphore, #tpu.memory_space<semaphore_mem>>) src(%arg24 : memref<80x128xf32, #tpu.memory_space<vmem>>) dst(%dma_wait3A_306 : memref<10000x128xf32, #tpu.memory_space<vmem_shared>>)
        tpu.yield
      }) : () -> ()
      %add3A_199 = arith.constant 8 : i32
      %add3A_200 = arith.addi %add3A_188, %add3A_199 : i32
      %lt3A_201 = arith.constant 125 : i32
      %lt3A_202 = arith.cmpi slt, %add3A_200, %lt3A_201 : i32
      %convert_element_type3A_203 = arith.extui %lt3A_202 : i1 to i32
      %cond3A_204 = arith.constant 0 : i32
      %cond3A_205 = arith.cmpi ne, %convert_element_type3A_203, %cond3A_204 : i32
      scf.if %cond3A_205 {
        %add3A_301 = arith.constant 8 : i32
        %add3A_302 = arith.addi %add3A_188, %add3A_301 : i32
        %mul3A_303 = arith.constant 80 : i32
        %mul3A_304 = arith.muli %add3A_302, %mul3A_303 : i32
        %add3A_305 = arith.addi %mul3A_2, %mul3A_304 : i32
        %dma_start3A_306 = tpu.memref_slice %arg2[%add3A_305] : memref<320000xi32, #tpu.memory_space<hbm>> -> memref<80xi32, #tpu.memory_space<hbm>>
        %dma_start3A_307 = tpu.memref_slice %arg2[%add3A_305] : memref<320000xi32, #tpu.memory_space<hbm>> -> memref<80xi32, #tpu.memory_space<hbm>>
        tpu.enqueue_dma source(%dma_start3A_307 : memref<80xi32, #tpu.memory_space<hbm>>) target(%arg8 : memref<80xi32, #tpu.memory_space<vmem>>) target_semaphore(%arg28 : memref<!tpu.dma_semaphore, #tpu.memory_space<semaphore_mem>>)
        %dma_start3A_308 = tpu.memref_slice %arg3[%add3A_305] : memref<320000xi32, #tpu.memory_space<hbm>> -> memref<80xi32, #tpu.memory_space<hbm>>
        %dma_start3A_309 = tpu.memref_slice %arg3[%add3A_305] : memref<320000xi32, #tpu.memory_space<hbm>> -> memref<80xi32, #tpu.memory_space<hbm>>
        tpu.enqueue_dma source(%dma_start3A_309 : memref<80xi32, #tpu.memory_space<hbm>>) target(%arg16 : memref<80xi32, #tpu.memory_space<vmem>>) target_semaphore(%arg36 : memref<!tpu.dma_semaphore, #tpu.memory_space<semaphore_mem>>)
      } else {
      }
      %add3A_206 = arith.constant 3 : i32
      %add3A_207 = arith.addi %mul3A_149, %add3A_206 : i32
      %dma_wait3A_208 = arith.constant 0 : i32
      %dma_wait3A_209 = arith.constant 0 : i32
      %dma_wait3A_210 = tpu.memref_slice %arg4[%dma_wait3A_208, %dma_wait3A_209] : memref<10000x128xf32, #tpu.memory_space<hbm>> -> memref<10000x128xf32, #tpu.memory_space<hbm>>
      tpu.wait_indirect_dma semaphore(%arg45 : memref<!tpu.dma_semaphore, #tpu.memory_space<semaphore_mem>>) src(%dma_wait3A_210 : memref<10000x128xf32, #tpu.memory_space<hbm>>) dst(%arg25 : memref<80x128xf32, #tpu.memory_space<vmem>>)
      %add3A_211 = arith.constant 3 : i32
      %add3A_212 = arith.addi %add3A_207, %add3A_211 : i32
      %lt3A_213 = arith.constant 125 : i32
      %lt3A_214 = arith.cmpi slt, %add3A_212, %lt3A_213 : i32
      %convert_element_type3A_215 = arith.extui %lt3A_214 : i1 to i32
      %cond3A_216 = arith.constant 0 : i32
      %cond3A_217 = arith.cmpi ne, %convert_element_type3A_215, %cond3A_216 : i32
      scf.if %cond3A_217 {
        %add3A_301 = arith.constant 3 : i32
        %add3A_302 = arith.addi %add3A_207, %add3A_301 : i32
        %mul3A_303 = arith.constant 80 : i32
        %mul3A_304 = arith.muli %add3A_302, %mul3A_303 : i32
        %add3A_305 = arith.addi %mul3A_2, %mul3A_304 : i32
        %dma_wait3A_306 = tpu.memref_slice %arg2[%add3A_305] : memref<320000xi32, #tpu.memory_space<hbm>> -> memref<80xi32, #tpu.memory_space<hbm>>
        %dma_wait3A_307 = tpu.memref_slice %arg2[%add3A_305] : memref<320000xi32, #tpu.memory_space<hbm>> -> memref<80xi32, #tpu.memory_space<hbm>>
        tpu.wait_dma2 semaphore(%arg32 : memref<!tpu.dma_semaphore, #tpu.memory_space<semaphore_mem>>) src(%dma_wait3A_307 : memref<80xi32, #tpu.memory_space<hbm>>) dst(%arg12 : memref<80xi32, #tpu.memory_space<vmem>>)
        %dma_wait3A_308 = tpu.memref_slice %arg3[%add3A_305] : memref<320000xi32, #tpu.memory_space<hbm>> -> memref<80xi32, #tpu.memory_space<hbm>>
        %dma_wait3A_309 = tpu.memref_slice %arg3[%add3A_305] : memref<320000xi32, #tpu.memory_space<hbm>> -> memref<80xi32, #tpu.memory_space<hbm>>
        tpu.wait_dma2 semaphore(%arg40 : memref<!tpu.dma_semaphore, #tpu.memory_space<semaphore_mem>>) src(%dma_wait3A_309 : memref<80xi32, #tpu.memory_space<hbm>>) dst(%arg20 : memref<80xi32, #tpu.memory_space<vmem>>)
        %add3A_310 = arith.constant 3 : i32
        %add3A_311 = arith.addi %add3A_207, %add3A_310 : i32
        %dma_start3A_312 = arith.constant 0 : i32
        %dma_start3A_313 = arith.constant 0 : i32
        %dma_start3A_314 = tpu.memref_slice %arg4[%dma_start3A_312, %dma_start3A_313] : memref<10000x128xf32, #tpu.memory_space<hbm>> -> memref<10000x128xf32, #tpu.memory_space<hbm>>
        tpu.enqueue_indirect_dma source(%dma_start3A_314 : memref<10000x128xf32, #tpu.memory_space<hbm>>) target(%arg24 : memref<80x128xf32, #tpu.memory_space<vmem>>) offsets(%arg12 : memref<80xi32, #tpu.memory_space<vmem>>) semaphore(%arg44 : memref<!tpu.dma_semaphore, #tpu.memory_space<semaphore_mem>>)
      } else {
      }
      "tpu.region"() ({
        %run_scoped3A = tpu.sem_alloc : memref<!tpu.dma_semaphore, #tpu.memory_space<semaphore_mem>>
        %dma_start3A_301 = arith.constant 0 : i32
        %dma_start3A_302 = arith.constant 0 : i32
        %dma_start3A_303 = tpu.memref_slice %arg46[%dma_start3A_301, %dma_start3A_302] : memref<10000x128xf32, #tpu.memory_space<vmem_shared>> -> memref<10000x128xf32, #tpu.memory_space<vmem_shared>>
        tpu.enqueue_indirect_dma source(%arg25 : memref<80x128xf32, #tpu.memory_space<vmem>>) target(%dma_start3A_303 : memref<10000x128xf32, #tpu.memory_space<vmem_shared>>) offsets(%arg17 : memref<80xi32, #tpu.memory_space<vmem>>) semaphore(%run_scoped3A : memref<!tpu.dma_semaphore, #tpu.memory_space<semaphore_mem>>) {add = true}
        %dma_wait3A_304 = arith.constant 0 : i32
        %dma_wait3A_305 = arith.constant 0 : i32
        %dma_wait3A_306 = tpu.memref_slice %arg46[%dma_wait3A_304, %dma_wait3A_305] : memref<10000x128xf32, #tpu.memory_space<vmem_shared>> -> memref<10000x128xf32, #tpu.memory_space<vmem_shared>>
        tpu.wait_indirect_dma semaphore(%run_scoped3A : memref<!tpu.dma_semaphore, #tpu.memory_space<semaphore_mem>>) src(%arg25 : memref<80x128xf32, #tpu.memory_space<vmem>>) dst(%dma_wait3A_306 : memref<10000x128xf32, #tpu.memory_space<vmem_shared>>)
        tpu.yield
      }) : () -> ()
      %add3A_218 = arith.constant 8 : i32
      %add3A_219 = arith.addi %add3A_207, %add3A_218 : i32
      %lt3A_220 = arith.constant 125 : i32
      %lt3A_221 = arith.cmpi slt, %add3A_219, %lt3A_220 : i32
      %convert_element_type3A_222 = arith.extui %lt3A_221 : i1 to i32
      %cond3A_223 = arith.constant 0 : i32
      %cond3A_224 = arith.cmpi ne, %convert_element_type3A_222, %cond3A_223 : i32
      scf.if %cond3A_224 {
        %add3A_301 = arith.constant 8 : i32
        %add3A_302 = arith.addi %add3A_207, %add3A_301 : i32
        %mul3A_303 = arith.constant 80 : i32
        %mul3A_304 = arith.muli %add3A_302, %mul3A_303 : i32
        %add3A_305 = arith.addi %mul3A_2, %mul3A_304 : i32
        %dma_start3A_306 = tpu.memref_slice %arg2[%add3A_305] : memref<320000xi32, #tpu.memory_space<hbm>> -> memref<80xi32, #tpu.memory_space<hbm>>
        %dma_start3A_307 = tpu.memref_slice %arg2[%add3A_305] : memref<320000xi32, #tpu.memory_space<hbm>> -> memref<80xi32, #tpu.memory_space<hbm>>
        tpu.enqueue_dma source(%dma_start3A_307 : memref<80xi32, #tpu.memory_space<hbm>>) target(%arg9 : memref<80xi32, #tpu.memory_space<vmem>>) target_semaphore(%arg29 : memref<!tpu.dma_semaphore, #tpu.memory_space<semaphore_mem>>)
        %dma_start3A_308 = tpu.memref_slice %arg3[%add3A_305] : memref<320000xi32, #tpu.memory_space<hbm>> -> memref<80xi32, #tpu.memory_space<hbm>>
        %dma_start3A_309 = tpu.memref_slice %arg3[%add3A_305] : memref<320000xi32, #tpu.memory_space<hbm>> -> memref<80xi32, #tpu.memory_space<hbm>>
        tpu.enqueue_dma source(%dma_start3A_309 : memref<80xi32, #tpu.memory_space<hbm>>) target(%arg17 : memref<80xi32, #tpu.memory_space<vmem>>) target_semaphore(%arg37 : memref<!tpu.dma_semaphore, #tpu.memory_space<semaphore_mem>>)
      } else {
      }
      %add3A_225 = arith.constant 4 : i32
      %add3A_226 = arith.addi %mul3A_149, %add3A_225 : i32
      %dma_wait3A_227 = arith.constant 0 : i32
      %dma_wait3A_228 = arith.constant 0 : i32
      %dma_wait3A_229 = tpu.memref_slice %arg4[%dma_wait3A_227, %dma_wait3A_228] : memref<10000x128xf32, #tpu.memory_space<hbm>> -> memref<10000x128xf32, #tpu.memory_space<hbm>>
      tpu.wait_indirect_dma semaphore(%arg42 : memref<!tpu.dma_semaphore, #tpu.memory_space<semaphore_mem>>) src(%dma_wait3A_229 : memref<10000x128xf32, #tpu.memory_space<hbm>>) dst(%arg22 : memref<80x128xf32, #tpu.memory_space<vmem>>)
      %add3A_230 = arith.constant 3 : i32
      %add3A_231 = arith.addi %add3A_226, %add3A_230 : i32
      %lt3A_232 = arith.constant 125 : i32
      %lt3A_233 = arith.cmpi slt, %add3A_231, %lt3A_232 : i32
      %convert_element_type3A_234 = arith.extui %lt3A_233 : i1 to i32
      %cond3A_235 = arith.constant 0 : i32
      %cond3A_236 = arith.cmpi ne, %convert_element_type3A_234, %cond3A_235 : i32
      scf.if %cond3A_236 {
        %add3A_301 = arith.constant 3 : i32
        %add3A_302 = arith.addi %add3A_226, %add3A_301 : i32
        %mul3A_303 = arith.constant 80 : i32
        %mul3A_304 = arith.muli %add3A_302, %mul3A_303 : i32
        %add3A_305 = arith.addi %mul3A_2, %mul3A_304 : i32
        %dma_wait3A_306 = tpu.memref_slice %arg2[%add3A_305] : memref<320000xi32, #tpu.memory_space<hbm>> -> memref<80xi32, #tpu.memory_space<hbm>>
        %dma_wait3A_307 = tpu.memref_slice %arg2[%add3A_305] : memref<320000xi32, #tpu.memory_space<hbm>> -> memref<80xi32, #tpu.memory_space<hbm>>
        tpu.wait_dma2 semaphore(%arg33 : memref<!tpu.dma_semaphore, #tpu.memory_space<semaphore_mem>>) src(%dma_wait3A_307 : memref<80xi32, #tpu.memory_space<hbm>>) dst(%arg13 : memref<80xi32, #tpu.memory_space<vmem>>)
        %dma_wait3A_308 = tpu.memref_slice %arg3[%add3A_305] : memref<320000xi32, #tpu.memory_space<hbm>> -> memref<80xi32, #tpu.memory_space<hbm>>
        %dma_wait3A_309 = tpu.memref_slice %arg3[%add3A_305] : memref<320000xi32, #tpu.memory_space<hbm>> -> memref<80xi32, #tpu.memory_space<hbm>>
        tpu.wait_dma2 semaphore(%arg41 : memref<!tpu.dma_semaphore, #tpu.memory_space<semaphore_mem>>) src(%dma_wait3A_309 : memref<80xi32, #tpu.memory_space<hbm>>) dst(%arg21 : memref<80xi32, #tpu.memory_space<vmem>>)
        %add3A_310 = arith.constant 3 : i32
        %add3A_311 = arith.addi %add3A_226, %add3A_310 : i32
        %dma_start3A_312 = arith.constant 0 : i32
        %dma_start3A_313 = arith.constant 0 : i32
        %dma_start3A_314 = tpu.memref_slice %arg4[%dma_start3A_312, %dma_start3A_313] : memref<10000x128xf32, #tpu.memory_space<hbm>> -> memref<10000x128xf32, #tpu.memory_space<hbm>>
        tpu.enqueue_indirect_dma source(%dma_start3A_314 : memref<10000x128xf32, #tpu.memory_space<hbm>>) target(%arg25 : memref<80x128xf32, #tpu.memory_space<vmem>>) offsets(%arg13 : memref<80xi32, #tpu.memory_space<vmem>>) semaphore(%arg45 : memref<!tpu.dma_semaphore, #tpu.memory_space<semaphore_mem>>)
      } else {
      }
      "tpu.region"() ({
        %run_scoped3A = tpu.sem_alloc : memref<!tpu.dma_semaphore, #tpu.memory_space<semaphore_mem>>
        %dma_start3A_301 = arith.constant 0 : i32
        %dma_start3A_302 = arith.constant 0 : i32
        %dma_start3A_303 = tpu.memref_slice %arg46[%dma_start3A_301, %dma_start3A_302] : memref<10000x128xf32, #tpu.memory_space<vmem_shared>> -> memref<10000x128xf32, #tpu.memory_space<vmem_shared>>
        tpu.enqueue_indirect_dma source(%arg22 : memref<80x128xf32, #tpu.memory_space<vmem>>) target(%dma_start3A_303 : memref<10000x128xf32, #tpu.memory_space<vmem_shared>>) offsets(%arg18 : memref<80xi32, #tpu.memory_space<vmem>>) semaphore(%run_scoped3A : memref<!tpu.dma_semaphore, #tpu.memory_space<semaphore_mem>>) {add = true}
        %dma_wait3A_304 = arith.constant 0 : i32
        %dma_wait3A_305 = arith.constant 0 : i32
        %dma_wait3A_306 = tpu.memref_slice %arg46[%dma_wait3A_304, %dma_wait3A_305] : memref<10000x128xf32, #tpu.memory_space<vmem_shared>> -> memref<10000x128xf32, #tpu.memory_space<vmem_shared>>
        tpu.wait_indirect_dma semaphore(%run_scoped3A : memref<!tpu.dma_semaphore, #tpu.memory_space<semaphore_mem>>) src(%arg22 : memref<80x128xf32, #tpu.memory_space<vmem>>) dst(%dma_wait3A_306 : memref<10000x128xf32, #tpu.memory_space<vmem_shared>>)
        tpu.yield
      }) : () -> ()
      %add3A_237 = arith.constant 8 : i32
      %add3A_238 = arith.addi %add3A_226, %add3A_237 : i32
      %lt3A_239 = arith.constant 125 : i32
      %lt3A_240 = arith.cmpi slt, %add3A_238, %lt3A_239 : i32
      %convert_element_type3A_241 = arith.extui %lt3A_240 : i1 to i32
      %cond3A_242 = arith.constant 0 : i32
      %cond3A_243 = arith.cmpi ne, %convert_element_type3A_241, %cond3A_242 : i32
      scf.if %cond3A_243 {
        %add3A_301 = arith.constant 8 : i32
        %add3A_302 = arith.addi %add3A_226, %add3A_301 : i32
        %mul3A_303 = arith.constant 80 : i32
        %mul3A_304 = arith.muli %add3A_302, %mul3A_303 : i32
        %add3A_305 = arith.addi %mul3A_2, %mul3A_304 : i32
        %dma_start3A_306 = tpu.memref_slice %arg2[%add3A_305] : memref<320000xi32, #tpu.memory_space<hbm>> -> memref<80xi32, #tpu.memory_space<hbm>>
        %dma_start3A_307 = tpu.memref_slice %arg2[%add3A_305] : memref<320000xi32, #tpu.memory_space<hbm>> -> memref<80xi32, #tpu.memory_space<hbm>>
        tpu.enqueue_dma source(%dma_start3A_307 : memref<80xi32, #tpu.memory_space<hbm>>) target(%arg10 : memref<80xi32, #tpu.memory_space<vmem>>) target_semaphore(%arg30 : memref<!tpu.dma_semaphore, #tpu.memory_space<semaphore_mem>>)
        %dma_start3A_308 = tpu.memref_slice %arg3[%add3A_305] : memref<320000xi32, #tpu.memory_space<hbm>> -> memref<80xi32, #tpu.memory_space<hbm>>
        %dma_start3A_309 = tpu.memref_slice %arg3[%add3A_305] : memref<320000xi32, #tpu.memory_space<hbm>> -> memref<80xi32, #tpu.memory_space<hbm>>
        tpu.enqueue_dma source(%dma_start3A_309 : memref<80xi32, #tpu.memory_space<hbm>>) target(%arg18 : memref<80xi32, #tpu.memory_space<vmem>>) target_semaphore(%arg38 : memref<!tpu.dma_semaphore, #tpu.memory_space<semaphore_mem>>)
      } else {
      }
      %add3A_244 = arith.constant 5 : i32
      %add3A_245 = arith.addi %mul3A_149, %add3A_244 : i32
      %dma_wait3A_246 = arith.constant 0 : i32
      %dma_wait3A_247 = arith.constant 0 : i32
      %dma_wait3A_248 = tpu.memref_slice %arg4[%dma_wait3A_246, %dma_wait3A_247] : memref<10000x128xf32, #tpu.memory_space<hbm>> -> memref<10000x128xf32, #tpu.memory_space<hbm>>
      tpu.wait_indirect_dma semaphore(%arg43 : memref<!tpu.dma_semaphore, #tpu.memory_space<semaphore_mem>>) src(%dma_wait3A_248 : memref<10000x128xf32, #tpu.memory_space<hbm>>) dst(%arg23 : memref<80x128xf32, #tpu.memory_space<vmem>>)
      %add3A_249 = arith.constant 3 : i32
      %add3A_250 = arith.addi %add3A_245, %add3A_249 : i32
      %lt3A_251 = arith.constant 125 : i32
      %lt3A_252 = arith.cmpi slt, %add3A_250, %lt3A_251 : i32
      %convert_element_type3A_253 = arith.extui %lt3A_252 : i1 to i32
      %cond3A_254 = arith.constant 0 : i32
      %cond3A_255 = arith.cmpi ne, %convert_element_type3A_253, %cond3A_254 : i32
      scf.if %cond3A_255 {
        %add3A_301 = arith.constant 3 : i32
        %add3A_302 = arith.addi %add3A_245, %add3A_301 : i32
        %mul3A_303 = arith.constant 80 : i32
        %mul3A_304 = arith.muli %add3A_302, %mul3A_303 : i32
        %add3A_305 = arith.addi %mul3A_2, %mul3A_304 : i32
        %dma_wait3A_306 = tpu.memref_slice %arg2[%add3A_305] : memref<320000xi32, #tpu.memory_space<hbm>> -> memref<80xi32, #tpu.memory_space<hbm>>
        %dma_wait3A_307 = tpu.memref_slice %arg2[%add3A_305] : memref<320000xi32, #tpu.memory_space<hbm>> -> memref<80xi32, #tpu.memory_space<hbm>>
        tpu.wait_dma2 semaphore(%arg26 : memref<!tpu.dma_semaphore, #tpu.memory_space<semaphore_mem>>) src(%dma_wait3A_307 : memref<80xi32, #tpu.memory_space<hbm>>) dst(%arg6 : memref<80xi32, #tpu.memory_space<vmem>>)
        %dma_wait3A_308 = tpu.memref_slice %arg3[%add3A_305] : memref<320000xi32, #tpu.memory_space<hbm>> -> memref<80xi32, #tpu.memory_space<hbm>>
        %dma_wait3A_309 = tpu.memref_slice %arg3[%add3A_305] : memref<320000xi32, #tpu.memory_space<hbm>> -> memref<80xi32, #tpu.memory_space<hbm>>
        tpu.wait_dma2 semaphore(%arg34 : memref<!tpu.dma_semaphore, #tpu.memory_space<semaphore_mem>>) src(%dma_wait3A_309 : memref<80xi32, #tpu.memory_space<hbm>>) dst(%arg14 : memref<80xi32, #tpu.memory_space<vmem>>)
        %add3A_310 = arith.constant 3 : i32
        %add3A_311 = arith.addi %add3A_245, %add3A_310 : i32
        %dma_start3A_312 = arith.constant 0 : i32
        %dma_start3A_313 = arith.constant 0 : i32
        %dma_start3A_314 = tpu.memref_slice %arg4[%dma_start3A_312, %dma_start3A_313] : memref<10000x128xf32, #tpu.memory_space<hbm>> -> memref<10000x128xf32, #tpu.memory_space<hbm>>
        tpu.enqueue_indirect_dma source(%dma_start3A_314 : memref<10000x128xf32, #tpu.memory_space<hbm>>) target(%arg22 : memref<80x128xf32, #tpu.memory_space<vmem>>) offsets(%arg6 : memref<80xi32, #tpu.memory_space<vmem>>) semaphore(%arg42 : memref<!tpu.dma_semaphore, #tpu.memory_space<semaphore_mem>>)
      } else {
      }
      "tpu.region"() ({
        %run_scoped3A = tpu.sem_alloc : memref<!tpu.dma_semaphore, #tpu.memory_space<semaphore_mem>>
        %dma_start3A_301 = arith.constant 0 : i32
        %dma_start3A_302 = arith.constant 0 : i32
        %dma_start3A_303 = tpu.memref_slice %arg46[%dma_start3A_301, %dma_start3A_302] : memref<10000x128xf32, #tpu.memory_space<vmem_shared>> -> memref<10000x128xf32, #tpu.memory_space<vmem_shared>>
        tpu.enqueue_indirect_dma source(%arg23 : memref<80x128xf32, #tpu.memory_space<vmem>>) target(%dma_start3A_303 : memref<10000x128xf32, #tpu.memory_space<vmem_shared>>) offsets(%arg19 : memref<80xi32, #tpu.memory_space<vmem>>) semaphore(%run_scoped3A : memref<!tpu.dma_semaphore, #tpu.memory_space<semaphore_mem>>) {add = true}
        %dma_wait3A_304 = arith.constant 0 : i32
        %dma_wait3A_305 = arith.constant 0 : i32
        %dma_wait3A_306 = tpu.memref_slice %arg46[%dma_wait3A_304, %dma_wait3A_305] : memref<10000x128xf32, #tpu.memory_space<vmem_shared>> -> memref<10000x128xf32, #tpu.memory_space<vmem_shared>>
        tpu.wait_indirect_dma semaphore(%run_scoped3A : memref<!tpu.dma_semaphore, #tpu.memory_space<semaphore_mem>>) src(%arg23 : memref<80x128xf32, #tpu.memory_space<vmem>>) dst(%dma_wait3A_306 : memref<10000x128xf32, #tpu.memory_space<vmem_shared>>)
        tpu.yield
      }) : () -> ()
      %add3A_256 = arith.constant 8 : i32
      %add3A_257 = arith.addi %add3A_245, %add3A_256 : i32
      %lt3A_258 = arith.constant 125 : i32
      %lt3A_259 = arith.cmpi slt, %add3A_257, %lt3A_258 : i32
      %convert_element_type3A_260 = arith.extui %lt3A_259 : i1 to i32
      %cond3A_261 = arith.constant 0 : i32
      %cond3A_262 = arith.cmpi ne, %convert_element_type3A_260, %cond3A_261 : i32
      scf.if %cond3A_262 {
        %add3A_301 = arith.constant 8 : i32
        %add3A_302 = arith.addi %add3A_245, %add3A_301 : i32
        %mul3A_303 = arith.constant 80 : i32
        %mul3A_304 = arith.muli %add3A_302, %mul3A_303 : i32
        %add3A_305 = arith.addi %mul3A_2, %mul3A_304 : i32
        %dma_start3A_306 = tpu.memref_slice %arg2[%add3A_305] : memref<320000xi32, #tpu.memory_space<hbm>> -> memref<80xi32, #tpu.memory_space<hbm>>
        %dma_start3A_307 = tpu.memref_slice %arg2[%add3A_305] : memref<320000xi32, #tpu.memory_space<hbm>> -> memref<80xi32, #tpu.memory_space<hbm>>
        tpu.enqueue_dma source(%dma_start3A_307 : memref<80xi32, #tpu.memory_space<hbm>>) target(%arg11 : memref<80xi32, #tpu.memory_space<vmem>>) target_semaphore(%arg31 : memref<!tpu.dma_semaphore, #tpu.memory_space<semaphore_mem>>)
        %dma_start3A_308 = tpu.memref_slice %arg3[%add3A_305] : memref<320000xi32, #tpu.memory_space<hbm>> -> memref<80xi32, #tpu.memory_space<hbm>>
        %dma_start3A_309 = tpu.memref_slice %arg3[%add3A_305] : memref<320000xi32, #tpu.memory_space<hbm>> -> memref<80xi32, #tpu.memory_space<hbm>>
        tpu.enqueue_dma source(%dma_start3A_309 : memref<80xi32, #tpu.memory_space<hbm>>) target(%arg19 : memref<80xi32, #tpu.memory_space<vmem>>) target_semaphore(%arg39 : memref<!tpu.dma_semaphore, #tpu.memory_space<semaphore_mem>>)
      } else {
      }
      %add3A_263 = arith.constant 6 : i32
      %add3A_264 = arith.addi %mul3A_149, %add3A_263 : i32
      %dma_wait3A_265 = arith.constant 0 : i32
      %dma_wait3A_266 = arith.constant 0 : i32
      %dma_wait3A_267 = tpu.memref_slice %arg4[%dma_wait3A_265, %dma_wait3A_266] : memref<10000x128xf32, #tpu.memory_space<hbm>> -> memref<10000x128xf32, #tpu.memory_space<hbm>>
      tpu.wait_indirect_dma semaphore(%arg44 : memref<!tpu.dma_semaphore, #tpu.memory_space<semaphore_mem>>) src(%dma_wait3A_267 : memref<10000x128xf32, #tpu.memory_space<hbm>>) dst(%arg24 : memref<80x128xf32, #tpu.memory_space<vmem>>)
      %add3A_268 = arith.constant 3 : i32
      %add3A_269 = arith.addi %add3A_264, %add3A_268 : i32
      %lt3A_270 = arith.constant 125 : i32
      %lt3A_271 = arith.cmpi slt, %add3A_269, %lt3A_270 : i32
      %convert_element_type3A_272 = arith.extui %lt3A_271 : i1 to i32
      %cond3A_273 = arith.constant 0 : i32
      %cond3A_274 = arith.cmpi ne, %convert_element_type3A_272, %cond3A_273 : i32
      scf.if %cond3A_274 {
        %add3A_301 = arith.constant 3 : i32
        %add3A_302 = arith.addi %add3A_264, %add3A_301 : i32
        %mul3A_303 = arith.constant 80 : i32
        %mul3A_304 = arith.muli %add3A_302, %mul3A_303 : i32
        %add3A_305 = arith.addi %mul3A_2, %mul3A_304 : i32
        %dma_wait3A_306 = tpu.memref_slice %arg2[%add3A_305] : memref<320000xi32, #tpu.memory_space<hbm>> -> memref<80xi32, #tpu.memory_space<hbm>>
        %dma_wait3A_307 = tpu.memref_slice %arg2[%add3A_305] : memref<320000xi32, #tpu.memory_space<hbm>> -> memref<80xi32, #tpu.memory_space<hbm>>
        tpu.wait_dma2 semaphore(%arg27 : memref<!tpu.dma_semaphore, #tpu.memory_space<semaphore_mem>>) src(%dma_wait3A_307 : memref<80xi32, #tpu.memory_space<hbm>>) dst(%arg7 : memref<80xi32, #tpu.memory_space<vmem>>)
        %dma_wait3A_308 = tpu.memref_slice %arg3[%add3A_305] : memref<320000xi32, #tpu.memory_space<hbm>> -> memref<80xi32, #tpu.memory_space<hbm>>
        %dma_wait3A_309 = tpu.memref_slice %arg3[%add3A_305] : memref<320000xi32, #tpu.memory_space<hbm>> -> memref<80xi32, #tpu.memory_space<hbm>>
        tpu.wait_dma2 semaphore(%arg35 : memref<!tpu.dma_semaphore, #tpu.memory_space<semaphore_mem>>) src(%dma_wait3A_309 : memref<80xi32, #tpu.memory_space<hbm>>) dst(%arg15 : memref<80xi32, #tpu.memory_space<vmem>>)
        %add3A_310 = arith.constant 3 : i32
        %add3A_311 = arith.addi %add3A_264, %add3A_310 : i32
        %dma_start3A_312 = arith.constant 0 : i32
        %dma_start3A_313 = arith.constant 0 : i32
        %dma_start3A_314 = tpu.memref_slice %arg4[%dma_start3A_312, %dma_start3A_313] : memref<10000x128xf32, #tpu.memory_space<hbm>> -> memref<10000x128xf32, #tpu.memory_space<hbm>>
        tpu.enqueue_indirect_dma source(%dma_start3A_314 : memref<10000x128xf32, #tpu.memory_space<hbm>>) target(%arg23 : memref<80x128xf32, #tpu.memory_space<vmem>>) offsets(%arg7 : memref<80xi32, #tpu.memory_space<vmem>>) semaphore(%arg43 : memref<!tpu.dma_semaphore, #tpu.memory_space<semaphore_mem>>)
      } else {
      }
      "tpu.region"() ({
        %run_scoped3A = tpu.sem_alloc : memref<!tpu.dma_semaphore, #tpu.memory_space<semaphore_mem>>
        %dma_start3A_301 = arith.constant 0 : i32
        %dma_start3A_302 = arith.constant 0 : i32
        %dma_start3A_303 = tpu.memref_slice %arg46[%dma_start3A_301, %dma_start3A_302] : memref<10000x128xf32, #tpu.memory_space<vmem_shared>> -> memref<10000x128xf32, #tpu.memory_space<vmem_shared>>
        tpu.enqueue_indirect_dma source(%arg24 : memref<80x128xf32, #tpu.memory_space<vmem>>) target(%dma_start3A_303 : memref<10000x128xf32, #tpu.memory_space<vmem_shared>>) offsets(%arg20 : memref<80xi32, #tpu.memory_space<vmem>>) semaphore(%run_scoped3A : memref<!tpu.dma_semaphore, #tpu.memory_space<semaphore_mem>>) {add = true}
        %dma_wait3A_304 = arith.constant 0 : i32
        %dma_wait3A_305 = arith.constant 0 : i32
        %dma_wait3A_306 = tpu.memref_slice %arg46[%dma_wait3A_304, %dma_wait3A_305] : memref<10000x128xf32, #tpu.memory_space<vmem_shared>> -> memref<10000x128xf32, #tpu.memory_space<vmem_shared>>
        tpu.wait_indirect_dma semaphore(%run_scoped3A : memref<!tpu.dma_semaphore, #tpu.memory_space<semaphore_mem>>) src(%arg24 : memref<80x128xf32, #tpu.memory_space<vmem>>) dst(%dma_wait3A_306 : memref<10000x128xf32, #tpu.memory_space<vmem_shared>>)
        tpu.yield
      }) : () -> ()
      %add3A_275 = arith.constant 8 : i32
      %add3A_276 = arith.addi %add3A_264, %add3A_275 : i32
      %lt3A_277 = arith.constant 125 : i32
      %lt3A_278 = arith.cmpi slt, %add3A_276, %lt3A_277 : i32
      %convert_element_type3A_279 = arith.extui %lt3A_278 : i1 to i32
      %cond3A_280 = arith.constant 0 : i32
      %cond3A_281 = arith.cmpi ne, %convert_element_type3A_279, %cond3A_280 : i32
      scf.if %cond3A_281 {
        %add3A_301 = arith.constant 8 : i32
        %add3A_302 = arith.addi %add3A_264, %add3A_301 : i32
        %mul3A_303 = arith.constant 80 : i32
        %mul3A_304 = arith.muli %add3A_302, %mul3A_303 : i32
        %add3A_305 = arith.addi %mul3A_2, %mul3A_304 : i32
        %dma_start3A_306 = tpu.memref_slice %arg2[%add3A_305] : memref<320000xi32, #tpu.memory_space<hbm>> -> memref<80xi32, #tpu.memory_space<hbm>>
        %dma_start3A_307 = tpu.memref_slice %arg2[%add3A_305] : memref<320000xi32, #tpu.memory_space<hbm>> -> memref<80xi32, #tpu.memory_space<hbm>>
        tpu.enqueue_dma source(%dma_start3A_307 : memref<80xi32, #tpu.memory_space<hbm>>) target(%arg12 : memref<80xi32, #tpu.memory_space<vmem>>) target_semaphore(%arg32 : memref<!tpu.dma_semaphore, #tpu.memory_space<semaphore_mem>>)
        %dma_start3A_308 = tpu.memref_slice %arg3[%add3A_305] : memref<320000xi32, #tpu.memory_space<hbm>> -> memref<80xi32, #tpu.memory_space<hbm>>
        %dma_start3A_309 = tpu.memref_slice %arg3[%add3A_305] : memref<320000xi32, #tpu.memory_space<hbm>> -> memref<80xi32, #tpu.memory_space<hbm>>
        tpu.enqueue_dma source(%dma_start3A_309 : memref<80xi32, #tpu.memory_space<hbm>>) target(%arg20 : memref<80xi32, #tpu.memory_space<vmem>>) target_semaphore(%arg40 : memref<!tpu.dma_semaphore, #tpu.memory_space<semaphore_mem>>)
      } else {
      }
      %add3A_282 = arith.constant 7 : i32
      %add3A_283 = arith.addi %mul3A_149, %add3A_282 : i32
      %dma_wait3A_284 = arith.constant 0 : i32
      %dma_wait3A_285 = arith.constant 0 : i32
      %dma_wait3A_286 = tpu.memref_slice %arg4[%dma_wait3A_284, %dma_wait3A_285] : memref<10000x128xf32, #tpu.memory_space<hbm>> -> memref<10000x128xf32, #tpu.memory_space<hbm>>
      tpu.wait_indirect_dma semaphore(%arg45 : memref<!tpu.dma_semaphore, #tpu.memory_space<semaphore_mem>>) src(%dma_wait3A_286 : memref<10000x128xf32, #tpu.memory_space<hbm>>) dst(%arg25 : memref<80x128xf32, #tpu.memory_space<vmem>>)
      %add3A_287 = arith.constant 3 : i32
      %add3A_288 = arith.addi %add3A_283, %add3A_287 : i32
      %lt3A_289 = arith.constant 125 : i32
      %lt3A_290 = arith.cmpi slt, %add3A_288, %lt3A_289 : i32
      %convert_element_type3A_291 = arith.extui %lt3A_290 : i1 to i32
      %cond3A_292 = arith.constant 0 : i32
      %cond3A_293 = arith.cmpi ne, %convert_element_type3A_291, %cond3A_292 : i32
      scf.if %cond3A_293 {
        %add3A_301 = arith.constant 3 : i32
        %add3A_302 = arith.addi %add3A_283, %add3A_301 : i32
        %mul3A_303 = arith.constant 80 : i32
        %mul3A_304 = arith.muli %add3A_302, %mul3A_303 : i32
        %add3A_305 = arith.addi %mul3A_2, %mul3A_304 : i32
        %dma_wait3A_306 = tpu.memref_slice %arg2[%add3A_305] : memref<320000xi32, #tpu.memory_space<hbm>> -> memref<80xi32, #tpu.memory_space<hbm>>
        %dma_wait3A_307 = tpu.memref_slice %arg2[%add3A_305] : memref<320000xi32, #tpu.memory_space<hbm>> -> memref<80xi32, #tpu.memory_space<hbm>>
        tpu.wait_dma2 semaphore(%arg28 : memref<!tpu.dma_semaphore, #tpu.memory_space<semaphore_mem>>) src(%dma_wait3A_307 : memref<80xi32, #tpu.memory_space<hbm>>) dst(%arg8 : memref<80xi32, #tpu.memory_space<vmem>>)
        %dma_wait3A_308 = tpu.memref_slice %arg3[%add3A_305] : memref<320000xi32, #tpu.memory_space<hbm>> -> memref<80xi32, #tpu.memory_space<hbm>>
        %dma_wait3A_309 = tpu.memref_slice %arg3[%add3A_305] : memref<320000xi32, #tpu.memory_space<hbm>> -> memref<80xi32, #tpu.memory_space<hbm>>
        tpu.wait_dma2 semaphore(%arg36 : memref<!tpu.dma_semaphore, #tpu.memory_space<semaphore_mem>>) src(%dma_wait3A_309 : memref<80xi32, #tpu.memory_space<hbm>>) dst(%arg16 : memref<80xi32, #tpu.memory_space<vmem>>)
        %add3A_310 = arith.constant 3 : i32
        %add3A_311 = arith.addi %add3A_283, %add3A_310 : i32
        %dma_start3A_312 = arith.constant 0 : i32
        %dma_start3A_313 = arith.constant 0 : i32
        %dma_start3A_314 = tpu.memref_slice %arg4[%dma_start3A_312, %dma_start3A_313] : memref<10000x128xf32, #tpu.memory_space<hbm>> -> memref<10000x128xf32, #tpu.memory_space<hbm>>
        tpu.enqueue_indirect_dma source(%dma_start3A_314 : memref<10000x128xf32, #tpu.memory_space<hbm>>) target(%arg24 : memref<80x128xf32, #tpu.memory_space<vmem>>) offsets(%arg8 : memref<80xi32, #tpu.memory_space<vmem>>) semaphore(%arg44 : memref<!tpu.dma_semaphore, #tpu.memory_space<semaphore_mem>>)
      } else {
      }
      "tpu.region"() ({
        %run_scoped3A = tpu.sem_alloc : memref<!tpu.dma_semaphore, #tpu.memory_space<semaphore_mem>>
        %dma_start3A_301 = arith.constant 0 : i32
        %dma_start3A_302 = arith.constant 0 : i32
        %dma_start3A_303 = tpu.memref_slice %arg46[%dma_start3A_301, %dma_start3A_302] : memref<10000x128xf32, #tpu.memory_space<vmem_shared>> -> memref<10000x128xf32, #tpu.memory_space<vmem_shared>>
        tpu.enqueue_indirect_dma source(%arg25 : memref<80x128xf32, #tpu.memory_space<vmem>>) target(%dma_start3A_303 : memref<10000x128xf32, #tpu.memory_space<vmem_shared>>) offsets(%arg21 : memref<80xi32, #tpu.memory_space<vmem>>) semaphore(%run_scoped3A : memref<!tpu.dma_semaphore, #tpu.memory_space<semaphore_mem>>) {add = true}
        %dma_wait3A_304 = arith.constant 0 : i32
        %dma_wait3A_305 = arith.constant 0 : i32
        %dma_wait3A_306 = tpu.memref_slice %arg46[%dma_wait3A_304, %dma_wait3A_305] : memref<10000x128xf32, #tpu.memory_space<vmem_shared>> -> memref<10000x128xf32, #tpu.memory_space<vmem_shared>>
        tpu.wait_indirect_dma semaphore(%run_scoped3A : memref<!tpu.dma_semaphore, #tpu.memory_space<semaphore_mem>>) src(%arg25 : memref<80x128xf32, #tpu.memory_space<vmem>>) dst(%dma_wait3A_306 : memref<10000x128xf32, #tpu.memory_space<vmem_shared>>)
        tpu.yield
      }) : () -> ()
      %add3A_294 = arith.constant 8 : i32
      %add3A_295 = arith.addi %add3A_283, %add3A_294 : i32
      %lt3A_296 = arith.constant 125 : i32
      %lt3A_297 = arith.cmpi slt, %add3A_295, %lt3A_296 : i32
      %convert_element_type3A_298 = arith.extui %lt3A_297 : i1 to i32
      %cond3A_299 = arith.constant 0 : i32
      %cond3A_300 = arith.cmpi ne, %convert_element_type3A_298, %cond3A_299 : i32
      scf.if %cond3A_300 {
        %add3A_301 = arith.constant 8 : i32
        %add3A_302 = arith.addi %add3A_283, %add3A_301 : i32
        %mul3A_303 = arith.constant 80 : i32
        %mul3A_304 = arith.muli %add3A_302, %mul3A_303 : i32
        %add3A_305 = arith.addi %mul3A_2, %mul3A_304 : i32
        %dma_start3A_306 = tpu.memref_slice %arg2[%add3A_305] : memref<320000xi32, #tpu.memory_space<hbm>> -> memref<80xi32, #tpu.memory_space<hbm>>
        %dma_start3A_307 = tpu.memref_slice %arg2[%add3A_305] : memref<320000xi32, #tpu.memory_space<hbm>> -> memref<80xi32, #tpu.memory_space<hbm>>
        tpu.enqueue_dma source(%dma_start3A_307 : memref<80xi32, #tpu.memory_space<hbm>>) target(%arg13 : memref<80xi32, #tpu.memory_space<vmem>>) target_semaphore(%arg33 : memref<!tpu.dma_semaphore, #tpu.memory_space<semaphore_mem>>)
        %dma_start3A_308 = tpu.memref_slice %arg3[%add3A_305] : memref<320000xi32, #tpu.memory_space<hbm>> -> memref<80xi32, #tpu.memory_space<hbm>>
        %dma_start3A_309 = tpu.memref_slice %arg3[%add3A_305] : memref<320000xi32, #tpu.memory_space<hbm>> -> memref<80xi32, #tpu.memory_space<hbm>>
        tpu.enqueue_dma source(%dma_start3A_309 : memref<80xi32, #tpu.memory_space<hbm>>) target(%arg21 : memref<80xi32, #tpu.memory_space<vmem>>) target_semaphore(%arg41 : memref<!tpu.dma_semaphore, #tpu.memory_space<semaphore_mem>>)
      } else {
      }
    }
    %scan3A_107 = arith.constant 15 : i32
    %dma_wait3A_108 = arith.constant 0 : i32
    %dma_wait3A_109 = arith.constant 0 : i32
    %dma_wait3A_110 = tpu.memref_slice %arg4[%dma_wait3A_108, %dma_wait3A_109] : memref<10000x128xf32, #tpu.memory_space<hbm>> -> memref<10000x128xf32, #tpu.memory_space<hbm>>
    tpu.wait_indirect_dma semaphore(%arg42 : memref<!tpu.dma_semaphore, #tpu.memory_space<semaphore_mem>>) src(%dma_wait3A_110 : memref<10000x128xf32, #tpu.memory_space<hbm>>) dst(%arg22 : memref<80x128xf32, #tpu.memory_space<vmem>>)
    %add3A_111 = arith.constant 9840 : i32
    %add3A_112 = arith.addi %mul3A_2, %add3A_111 : i32
    %dma_wait3A_113 = tpu.memref_slice %arg2[%add3A_112] : memref<320000xi32, #tpu.memory_space<hbm>> -> memref<80xi32, #tpu.memory_space<hbm>>
    %dma_wait3A_114 = tpu.memref_slice %arg2[%add3A_112] : memref<320000xi32, #tpu.memory_space<hbm>> -> memref<80xi32, #tpu.memory_space<hbm>>
    tpu.wait_dma2 semaphore(%arg29 : memref<!tpu.dma_semaphore, #tpu.memory_space<semaphore_mem>>) src(%dma_wait3A_114 : memref<80xi32, #tpu.memory_space<hbm>>) dst(%arg9 : memref<80xi32, #tpu.memory_space<vmem>>)
    %dma_wait3A_115 = tpu.memref_slice %arg3[%add3A_112] : memref<320000xi32, #tpu.memory_space<hbm>> -> memref<80xi32, #tpu.memory_space<hbm>>
    %dma_wait3A_116 = tpu.memref_slice %arg3[%add3A_112] : memref<320000xi32, #tpu.memory_space<hbm>> -> memref<80xi32, #tpu.memory_space<hbm>>
    tpu.wait_dma2 semaphore(%arg37 : memref<!tpu.dma_semaphore, #tpu.memory_space<semaphore_mem>>) src(%dma_wait3A_116 : memref<80xi32, #tpu.memory_space<hbm>>) dst(%arg17 : memref<80xi32, #tpu.memory_space<vmem>>)
    %dma_start3A_117 = arith.constant 0 : i32
    %dma_start3A_118 = arith.constant 0 : i32
    %dma_start3A_119 = tpu.memref_slice %arg4[%dma_start3A_117, %dma_start3A_118] : memref<10000x128xf32, #tpu.memory_space<hbm>> -> memref<10000x128xf32, #tpu.memory_space<hbm>>
    tpu.enqueue_indirect_dma source(%dma_start3A_119 : memref<10000x128xf32, #tpu.memory_space<hbm>>) target(%arg25 : memref<80x128xf32, #tpu.memory_space<vmem>>) offsets(%arg9 : memref<80xi32, #tpu.memory_space<vmem>>) semaphore(%arg45 : memref<!tpu.dma_semaphore, #tpu.memory_space<semaphore_mem>>)
    "tpu.region"() ({
      %run_scoped3A = tpu.sem_alloc : memref<!tpu.dma_semaphore, #tpu.memory_space<semaphore_mem>>
      %dma_start3A_147 = arith.constant 0 : i32
      %dma_start3A_148 = arith.constant 0 : i32
      %dma_start3A_149 = tpu.memref_slice %arg46[%dma_start3A_147, %dma_start3A_148] : memref<10000x128xf32, #tpu.memory_space<vmem_shared>> -> memref<10000x128xf32, #tpu.memory_space<vmem_shared>>
      tpu.enqueue_indirect_dma source(%arg22 : memref<80x128xf32, #tpu.memory_space<vmem>>) target(%dma_start3A_149 : memref<10000x128xf32, #tpu.memory_space<vmem_shared>>) offsets(%arg14 : memref<80xi32, #tpu.memory_space<vmem>>) semaphore(%run_scoped3A : memref<!tpu.dma_semaphore, #tpu.memory_space<semaphore_mem>>) {add = true}
      %dma_wait3A_150 = arith.constant 0 : i32
      %dma_wait3A_151 = arith.constant 0 : i32
      %dma_wait3A_152 = tpu.memref_slice %arg46[%dma_wait3A_150, %dma_wait3A_151] : memref<10000x128xf32, #tpu.memory_space<vmem_shared>> -> memref<10000x128xf32, #tpu.memory_space<vmem_shared>>
      tpu.wait_indirect_dma semaphore(%run_scoped3A : memref<!tpu.dma_semaphore, #tpu.memory_space<semaphore_mem>>) src(%arg22 : memref<80x128xf32, #tpu.memory_space<vmem>>) dst(%dma_wait3A_152 : memref<10000x128xf32, #tpu.memory_space<vmem_shared>>)
      tpu.yield
    }) : () -> ()
    %dma_wait3A_120 = arith.constant 0 : i32
    %dma_wait3A_121 = arith.constant 0 : i32
    %dma_wait3A_122 = tpu.memref_slice %arg4[%dma_wait3A_120, %dma_wait3A_121] : memref<10000x128xf32, #tpu.memory_space<hbm>> -> memref<10000x128xf32, #tpu.memory_space<hbm>>
    tpu.wait_indirect_dma semaphore(%arg43 : memref<!tpu.dma_semaphore, #tpu.memory_space<semaphore_mem>>) src(%dma_wait3A_122 : memref<10000x128xf32, #tpu.memory_space<hbm>>) dst(%arg23 : memref<80x128xf32, #tpu.memory_space<vmem>>)
    %add3A_123 = arith.constant 9920 : i32
    %add3A_124 = arith.addi %mul3A_2, %add3A_123 : i32
    %dma_wait3A_125 = tpu.memref_slice %arg2[%add3A_124] : memref<320000xi32, #tpu.memory_space<hbm>> -> memref<80xi32, #tpu.memory_space<hbm>>
    %dma_wait3A_126 = tpu.memref_slice %arg2[%add3A_124] : memref<320000xi32, #tpu.memory_space<hbm>> -> memref<80xi32, #tpu.memory_space<hbm>>
    tpu.wait_dma2 semaphore(%arg30 : memref<!tpu.dma_semaphore, #tpu.memory_space<semaphore_mem>>) src(%dma_wait3A_126 : memref<80xi32, #tpu.memory_space<hbm>>) dst(%arg10 : memref<80xi32, #tpu.memory_space<vmem>>)
    %dma_wait3A_127 = tpu.memref_slice %arg3[%add3A_124] : memref<320000xi32, #tpu.memory_space<hbm>> -> memref<80xi32, #tpu.memory_space<hbm>>
    %dma_wait3A_128 = tpu.memref_slice %arg3[%add3A_124] : memref<320000xi32, #tpu.memory_space<hbm>> -> memref<80xi32, #tpu.memory_space<hbm>>
    tpu.wait_dma2 semaphore(%arg38 : memref<!tpu.dma_semaphore, #tpu.memory_space<semaphore_mem>>) src(%dma_wait3A_128 : memref<80xi32, #tpu.memory_space<hbm>>) dst(%arg18 : memref<80xi32, #tpu.memory_space<vmem>>)
    %dma_start3A_129 = arith.constant 0 : i32
    %dma_start3A_130 = arith.constant 0 : i32
    %dma_start3A_131 = tpu.memref_slice %arg4[%dma_start3A_129, %dma_start3A_130] : memref<10000x128xf32, #tpu.memory_space<hbm>> -> memref<10000x128xf32, #tpu.memory_space<hbm>>
    tpu.enqueue_indirect_dma source(%dma_start3A_131 : memref<10000x128xf32, #tpu.memory_space<hbm>>) target(%arg22 : memref<80x128xf32, #tpu.memory_space<vmem>>) offsets(%arg10 : memref<80xi32, #tpu.memory_space<vmem>>) semaphore(%arg42 : memref<!tpu.dma_semaphore, #tpu.memory_space<semaphore_mem>>)
    "tpu.region"() ({
      %run_scoped3A = tpu.sem_alloc : memref<!tpu.dma_semaphore, #tpu.memory_space<semaphore_mem>>
      %dma_start3A_147 = arith.constant 0 : i32
      %dma_start3A_148 = arith.constant 0 : i32
      %dma_start3A_149 = tpu.memref_slice %arg46[%dma_start3A_147, %dma_start3A_148] : memref<10000x128xf32, #tpu.memory_space<vmem_shared>> -> memref<10000x128xf32, #tpu.memory_space<vmem_shared>>
      tpu.enqueue_indirect_dma source(%arg23 : memref<80x128xf32, #tpu.memory_space<vmem>>) target(%dma_start3A_149 : memref<10000x128xf32, #tpu.memory_space<vmem_shared>>) offsets(%arg15 : memref<80xi32, #tpu.memory_space<vmem>>) semaphore(%run_scoped3A : memref<!tpu.dma_semaphore, #tpu.memory_space<semaphore_mem>>) {add = true}
      %dma_wait3A_150 = arith.constant 0 : i32
      %dma_wait3A_151 = arith.constant 0 : i32
      %dma_wait3A_152 = tpu.memref_slice %arg46[%dma_wait3A_150, %dma_wait3A_151] : memref<10000x128xf32, #tpu.memory_space<vmem_shared>> -> memref<10000x128xf32, #tpu.memory_space<vmem_shared>>
      tpu.wait_indirect_dma semaphore(%run_scoped3A : memref<!tpu.dma_semaphore, #tpu.memory_space<semaphore_mem>>) src(%arg23 : memref<80x128xf32, #tpu.memory_space<vmem>>) dst(%dma_wait3A_152 : memref<10000x128xf32, #tpu.memory_space<vmem_shared>>)
      tpu.yield
    }) : () -> ()
    %dma_wait3A_132 = arith.constant 0 : i32
    %dma_wait3A_133 = arith.constant 0 : i32
    %dma_wait3A_134 = tpu.memref_slice %arg4[%dma_wait3A_132, %dma_wait3A_133] : memref<10000x128xf32, #tpu.memory_space<hbm>> -> memref<10000x128xf32, #tpu.memory_space<hbm>>
    tpu.wait_indirect_dma semaphore(%arg44 : memref<!tpu.dma_semaphore, #tpu.memory_space<semaphore_mem>>) src(%dma_wait3A_134 : memref<10000x128xf32, #tpu.memory_space<hbm>>) dst(%arg24 : memref<80x128xf32, #tpu.memory_space<vmem>>)
    "tpu.region"() ({
      %run_scoped3A = tpu.sem_alloc : memref<!tpu.dma_semaphore, #tpu.memory_space<semaphore_mem>>
      %dma_start3A_147 = arith.constant 0 : i32
      %dma_start3A_148 = arith.constant 0 : i32
      %dma_start3A_149 = tpu.memref_slice %arg46[%dma_start3A_147, %dma_start3A_148] : memref<10000x128xf32, #tpu.memory_space<vmem_shared>> -> memref<10000x128xf32, #tpu.memory_space<vmem_shared>>
      tpu.enqueue_indirect_dma source(%arg24 : memref<80x128xf32, #tpu.memory_space<vmem>>) target(%dma_start3A_149 : memref<10000x128xf32, #tpu.memory_space<vmem_shared>>) offsets(%arg16 : memref<80xi32, #tpu.memory_space<vmem>>) semaphore(%run_scoped3A : memref<!tpu.dma_semaphore, #tpu.memory_space<semaphore_mem>>) {add = true}
      %dma_wait3A_150 = arith.constant 0 : i32
      %dma_wait3A_151 = arith.constant 0 : i32
      %dma_wait3A_152 = tpu.memref_slice %arg46[%dma_wait3A_150, %dma_wait3A_151] : memref<10000x128xf32, #tpu.memory_space<vmem_shared>> -> memref<10000x128xf32, #tpu.memory_space<vmem_shared>>
      tpu.wait_indirect_dma semaphore(%run_scoped3A : memref<!tpu.dma_semaphore, #tpu.memory_space<semaphore_mem>>) src(%arg24 : memref<80x128xf32, #tpu.memory_space<vmem>>) dst(%dma_wait3A_152 : memref<10000x128xf32, #tpu.memory_space<vmem_shared>>)
      tpu.yield
    }) : () -> ()
    %dma_wait3A_135 = arith.constant 0 : i32
    %dma_wait3A_136 = arith.constant 0 : i32
    %dma_wait3A_137 = tpu.memref_slice %arg4[%dma_wait3A_135, %dma_wait3A_136] : memref<10000x128xf32, #tpu.memory_space<hbm>> -> memref<10000x128xf32, #tpu.memory_space<hbm>>
    tpu.wait_indirect_dma semaphore(%arg45 : memref<!tpu.dma_semaphore, #tpu.memory_space<semaphore_mem>>) src(%dma_wait3A_137 : memref<10000x128xf32, #tpu.memory_space<hbm>>) dst(%arg25 : memref<80x128xf32, #tpu.memory_space<vmem>>)
    "tpu.region"() ({
      %run_scoped3A = tpu.sem_alloc : memref<!tpu.dma_semaphore, #tpu.memory_space<semaphore_mem>>
      %dma_start3A_147 = arith.constant 0 : i32
      %dma_start3A_148 = arith.constant 0 : i32
      %dma_start3A_149 = tpu.memref_slice %arg46[%dma_start3A_147, %dma_start3A_148] : memref<10000x128xf32, #tpu.memory_space<vmem_shared>> -> memref<10000x128xf32, #tpu.memory_space<vmem_shared>>
      tpu.enqueue_indirect_dma source(%arg25 : memref<80x128xf32, #tpu.memory_space<vmem>>) target(%dma_start3A_149 : memref<10000x128xf32, #tpu.memory_space<vmem_shared>>) offsets(%arg17 : memref<80xi32, #tpu.memory_space<vmem>>) semaphore(%run_scoped3A : memref<!tpu.dma_semaphore, #tpu.memory_space<semaphore_mem>>) {add = true}
      %dma_wait3A_150 = arith.constant 0 : i32
      %dma_wait3A_151 = arith.constant 0 : i32
      %dma_wait3A_152 = tpu.memref_slice %arg46[%dma_wait3A_150, %dma_wait3A_151] : memref<10000x128xf32, #tpu.memory_space<vmem_shared>> -> memref<10000x128xf32, #tpu.memory_space<vmem_shared>>
      tpu.wait_indirect_dma semaphore(%run_scoped3A : memref<!tpu.dma_semaphore, #tpu.memory_space<semaphore_mem>>) src(%arg25 : memref<80x128xf32, #tpu.memory_space<vmem>>) dst(%dma_wait3A_152 : memref<10000x128xf32, #tpu.memory_space<vmem_shared>>)
      tpu.yield
    }) : () -> ()
    %dma_wait3A_138 = arith.constant 0 : i32
    %dma_wait3A_139 = arith.constant 0 : i32
    %dma_wait3A_140 = tpu.memref_slice %arg4[%dma_wait3A_138, %dma_wait3A_139] : memref<10000x128xf32, #tpu.memory_space<hbm>> -> memref<10000x128xf32, #tpu.memory_space<hbm>>
    tpu.wait_indirect_dma semaphore(%arg42 : memref<!tpu.dma_semaphore, #tpu.memory_space<semaphore_mem>>) src(%dma_wait3A_140 : memref<10000x128xf32, #tpu.memory_space<hbm>>) dst(%arg22 : memref<80x128xf32, #tpu.memory_space<vmem>>)
    "tpu.region"() ({
      %run_scoped3A = tpu.sem_alloc : memref<!tpu.dma_semaphore, #tpu.memory_space<semaphore_mem>>
      %dma_start3A_147 = arith.constant 0 : i32
      %dma_start3A_148 = arith.constant 0 : i32
      %dma_start3A_149 = tpu.memref_slice %arg46[%dma_start3A_147, %dma_start3A_148] : memref<10000x128xf32, #tpu.memory_space<vmem_shared>> -> memref<10000x128xf32, #tpu.memory_space<vmem_shared>>
      tpu.enqueue_indirect_dma source(%arg22 : memref<80x128xf32, #tpu.memory_space<vmem>>) target(%dma_start3A_149 : memref<10000x128xf32, #tpu.memory_space<vmem_shared>>) offsets(%arg18 : memref<80xi32, #tpu.memory_space<vmem>>) semaphore(%run_scoped3A : memref<!tpu.dma_semaphore, #tpu.memory_space<semaphore_mem>>) {add = true}
      %dma_wait3A_150 = arith.constant 0 : i32
      %dma_wait3A_151 = arith.constant 0 : i32
      %dma_wait3A_152 = tpu.memref_slice %arg46[%dma_wait3A_150, %dma_wait3A_151] : memref<10000x128xf32, #tpu.memory_space<vmem_shared>> -> memref<10000x128xf32, #tpu.memory_space<vmem_shared>>
      tpu.wait_indirect_dma semaphore(%run_scoped3A : memref<!tpu.dma_semaphore, #tpu.memory_space<semaphore_mem>>) src(%arg22 : memref<80x128xf32, #tpu.memory_space<vmem>>) dst(%dma_wait3A_152 : memref<10000x128xf32, #tpu.memory_space<vmem_shared>>)
      tpu.yield
    }) : () -> ()
    %barrier3A_141 = arith.constant 0 : index
    tpu.barrier barrier_id(%barrier3A_141)
    "tpu.region"() ({
      %run_scoped3A = tpu.sem_alloc : memref<!tpu.dma_semaphore, #tpu.memory_space<semaphore_mem>>
      %dma_start3A_147 = arith.constant 0 : i32
      %dma_start3A_148 = tpu.memref_slice %arg5[%arg0, %mul3A_10, %dma_start3A_147] : memref<2x10000x128xf32, #tpu.memory_space<hbm>> -> memref<1x624x128xf32, #tpu.memory_space<hbm>>
      %dma_start3A_149 = tpu.memref_squeeze %dma_start3A_148 : memref<1x624x128xf32, #tpu.memory_space<hbm>> -> memref<624x128xf32, #tpu.memory_space<hbm>>
      %dma_start3A_150 = arith.constant 0 : i32
      %dma_start3A_151 = tpu.memref_slice %arg46[%mul3A_10, %dma_start3A_150] : memref<10000x128xf32, #tpu.memory_space<vmem_shared>> -> memref<624x128xf32, #tpu.memory_space<vmem_shared>>
      tpu.enqueue_dma source(%dma_start3A_151 : memref<624x128xf32, #tpu.memory_space<vmem_shared>>) target(%dma_start3A_149 : memref<624x128xf32, #tpu.memory_space<hbm>>) target_semaphore(%run_scoped3A : memref<!tpu.dma_semaphore, #tpu.memory_space<semaphore_mem>>)
      %dma_wait3A_152 = arith.constant 0 : i32
      %dma_wait3A_153 = tpu.memref_slice %arg5[%arg0, %mul3A_10, %dma_wait3A_152] : memref<2x10000x128xf32, #tpu.memory_space<hbm>> -> memref<1x624x128xf32, #tpu.memory_space<hbm>>
      %dma_wait3A_154 = tpu.memref_squeeze %dma_wait3A_153 : memref<1x624x128xf32, #tpu.memory_space<hbm>> -> memref<624x128xf32, #tpu.memory_space<hbm>>
      %dma_wait3A_155 = arith.constant 0 : i32
      %dma_wait3A_156 = tpu.memref_slice %arg46[%mul3A_10, %dma_wait3A_155] : memref<10000x128xf32, #tpu.memory_space<vmem_shared>> -> memref<624x128xf32, #tpu.memory_space<vmem_shared>>
      tpu.wait_dma2 semaphore(%run_scoped3A : memref<!tpu.dma_semaphore, #tpu.memory_space<semaphore_mem>>) src(%dma_wait3A_156 : memref<624x128xf32, #tpu.memory_space<vmem_shared>>) dst(%dma_wait3A_154 : memref<624x128xf32, #tpu.memory_space<hbm>>)
      tpu.yield
    }) : () -> ()
    %eq3A_142 = arith.constant 0 : i32
    %eq3A_143 = arith.cmpi eq, %arg1, %eq3A_142 : i32
    %convert_element_type3A_144 = arith.extui %eq3A_143 : i1 to i32
    %cond3A_145 = arith.constant 0 : i32
    %cond3A_146 = arith.cmpi ne, %convert_element_type3A_144, %cond3A_145 : i32
    scf.if %cond3A_146 {
      "tpu.region"() ({
        %run_scoped3A = tpu.sem_alloc : memref<!tpu.dma_semaphore, #tpu.memory_space<semaphore_mem>>
        %dma_start3A_147 = arith.constant 9984 : i32
        %dma_start3A_148 = arith.constant 0 : i32
        %dma_start3A_149 = tpu.memref_slice %arg5[%arg0, %dma_start3A_147, %dma_start3A_148] : memref<2x10000x128xf32, #tpu.memory_space<hbm>> -> memref<1x16x128xf32, #tpu.memory_space<hbm>>
        %dma_start3A_150 = tpu.memref_squeeze %dma_start3A_149 : memref<1x16x128xf32, #tpu.memory_space<hbm>> -> memref<16x128xf32, #tpu.memory_space<hbm>>
        %dma_start3A_151 = arith.constant 9984 : i32
        %dma_start3A_152 = arith.constant 0 : i32
        %dma_start3A_153 = tpu.memref_slice %arg46[%dma_start3A_151, %dma_start3A_152] : memref<10000x128xf32, #tpu.memory_space<vmem_shared>> -> memref<16x128xf32, #tpu.memory_space<vmem_shared>>
        tpu.enqueue_dma source(%dma_start3A_153 : memref<16x128xf32, #tpu.memory_space<vmem_shared>>) target(%dma_start3A_150 : memref<16x128xf32, #tpu.memory_space<hbm>>) target_semaphore(%run_scoped3A : memref<!tpu.dma_semaphore, #tpu.memory_space<semaphore_mem>>)
        %dma_wait3A_154 = arith.constant 9984 : i32
        %dma_wait3A_155 = arith.constant 0 : i32
        %dma_wait3A_156 = tpu.memref_slice %arg5[%arg0, %dma_wait3A_154, %dma_wait3A_155] : memref<2x10000x128xf32, #tpu.memory_space<hbm>> -> memref<1x16x128xf32, #tpu.memory_space<hbm>>
        %dma_wait3A_157 = tpu.memref_squeeze %dma_wait3A_156 : memref<1x16x128xf32, #tpu.memory_space<hbm>> -> memref<16x128xf32, #tpu.memory_space<hbm>>
        %dma_wait3A_158 = arith.constant 9984 : i32
        %dma_wait3A_159 = arith.constant 0 : i32
        %dma_wait3A_160 = tpu.memref_slice %arg46[%dma_wait3A_158, %dma_wait3A_159] : memref<10000x128xf32, #tpu.memory_space<vmem_shared>> -> memref<16x128xf32, #tpu.memory_space<vmem_shared>>
        tpu.wait_dma2 semaphore(%run_scoped3A : memref<!tpu.dma_semaphore, #tpu.memory_space<semaphore_mem>>) src(%dma_wait3A_160 : memref<16x128xf32, #tpu.memory_space<vmem_shared>>) dst(%dma_wait3A_157 : memref<16x128xf32, #tpu.memory_space<hbm>>)
        tpu.yield
      }) : () -> ()
    } else {
    }
    return
  }
}

#map = affine_map<(d0, d1) -> (0)>
module attributes {stable_mosaic.version = 14 : i64} {
  func.func @_deg_kernel(%arg0: i32, %arg1: i32, %arg2: memref<320000xi32, #tpu.memory_space<hbm>>, %arg3: memref<320000xf32, #tpu.memory_space<hbm>>, %arg4: memref<10000xi32, #tpu.memory_space<vmem>>, %arg5: memref<10000xf32, #tpu.memory_space<vmem>>, %arg6: memref<!tpu.dma_semaphore, #tpu.memory_space<semaphore_mem>>) attributes {dimension_semantics = [#tpu.dimension_semantics<core_parallel>, #tpu.dimension_semantics<subcore_parallel>], iteration_bounds = array<i64: 2, 16>, scalar_prefetch = 0 : i64, scratch_operands = 3 : i64, tpu.core_type = #tpu.core_type<sc_vector_subcore>, window_params = [{transform_indices = #map}, {transform_indices = #map}]} {
    %mul3A = arith.constant 16 : i32
    %mul3A_0 = arith.muli %arg0, %mul3A : i32
    %add3A = arith.addi %mul3A_0, %arg1 : i32
    %mul3A_1 = arith.constant 10000 : i32
    %mul3A_2 = arith.muli %add3A, %mul3A_1 : i32
    %dma_start3A = tpu.memref_slice %arg2[%mul3A_2] : memref<320000xi32, #tpu.memory_space<hbm>> -> memref<10000xi32, #tpu.memory_space<hbm>>
    %dma_start3A_3 = tpu.memref_slice %arg2[%mul3A_2] : memref<320000xi32, #tpu.memory_space<hbm>> -> memref<10000xi32, #tpu.memory_space<hbm>>
    tpu.enqueue_dma source(%dma_start3A_3 : memref<10000xi32, #tpu.memory_space<hbm>>) target(%arg4 : memref<10000xi32, #tpu.memory_space<vmem>>) target_semaphore(%arg6 : memref<!tpu.dma_semaphore, #tpu.memory_space<semaphore_mem>>)
    %broadcast_in_dim3A = arith.constant 0.000000e+00 : f32
    %broadcast_in_dim3A_4 = vector.broadcast %broadcast_in_dim3A : f32 to vector<16xf32>
    %scan3A = arith.constant 0 : i32
    %scan3A_5 = arith.constant 0 : i32
    %scan3A_6 = arith.constant 625 : i32
    %scan3A_7 = arith.addi %scan3A_5, %scan3A_6 : i32
    %scan3A_8 = arith.constant 1 : i32
    scf.for %scan3A_39 = %scan3A_5 to %scan3A_7 step %scan3A_8  : i32 {
      %mul3A_40 = arith.constant 16 : i32
      %mul3A_41 = arith.muli %scan3A_39, %mul3A_40 : i32
      %swap3A = arith.index_cast %mul3A_41 : i32 to index
      %swap3A_42 = tpu.vector_load %arg5[%swap3A] {strides = array<i32>} : memref<10000xf32, #tpu.memory_space<vmem>>, vector<16xf32>,
      tpu.vector_store %arg5[%swap3A], %broadcast_in_dim3A_4 {strides = array<i32>} : memref<10000xf32, #tpu.memory_space<vmem>>, vector<16xf32>,
    }
    %scan3A_9 = arith.constant 625 : i32
    %dma_wait3A = tpu.memref_slice %arg2[%mul3A_2] : memref<320000xi32, #tpu.memory_space<hbm>> -> memref<10000xi32, #tpu.memory_space<hbm>>
    %dma_wait3A_10 = tpu.memref_slice %arg2[%mul3A_2] : memref<320000xi32, #tpu.memory_space<hbm>> -> memref<10000xi32, #tpu.memory_space<hbm>>
    tpu.wait_dma2 semaphore(%arg6 : memref<!tpu.dma_semaphore, #tpu.memory_space<semaphore_mem>>) src(%dma_wait3A_10 : memref<10000xi32, #tpu.memory_space<hbm>>) dst(%arg4 : memref<10000xi32, #tpu.memory_space<vmem>>)
    %broadcast_in_dim3A_11 = arith.constant 1.000000e+00 : f32
    %broadcast_in_dim3A_12 = vector.broadcast %broadcast_in_dim3A_11 : f32 to vector<16xf32>
    %scan3A_13 = arith.constant 0 : i32
    %scan3A_14 = arith.constant 0 : i32
    %scan3A_15 = arith.constant 625 : i32
    %scan3A_16 = arith.addi %scan3A_14, %scan3A_15 : i32
    %scan3A_17 = arith.constant 1 : i32
    scf.for %scan3A_39 = %scan3A_14 to %scan3A_16 step %scan3A_17  : i32 {
      %mul3A_40 = arith.constant 16 : i32
      %mul3A_41 = arith.muli %scan3A_39, %mul3A_40 : i32
      %get3A = arith.index_cast %mul3A_41 : i32 to index
      %get3A_42 = tpu.vector_load %arg4[%get3A] {strides = array<i32>} : memref<10000xi32, #tpu.memory_space<vmem>>, vector<16xi32>,
      tpu.vector_store_idx %arg5[%get3A_42], %broadcast_in_dim3A_12 {add = true} : memref<10000xf32, #tpu.memory_space<vmem>>[vector<16xi32>], vector<16xf32>,
    }
    %scan3A_18 = arith.constant 625 : i32
    %mul3A_19 = arith.constant 2000 : i32
    %mul3A_20 = arith.muli %add3A, %mul3A_19 : i32
    %add3A_21 = arith.constant 0 : i32
    %add3A_22 = arith.addi %add3A_21, %mul3A_20 : i32
    "tpu.region"() ({
      %run_scoped3A = tpu.sem_alloc : memref<!tpu.dma_semaphore, #tpu.memory_space<semaphore_mem>>
      %dma_start3A_39 = arith.constant 0 : i32
      %dma_start3A_40 = tpu.memref_slice %arg5[%dma_start3A_39] : memref<10000xf32, #tpu.memory_space<vmem>> -> memref<2000xf32, #tpu.memory_space<vmem>>
      %dma_start3A_41 = tpu.memref_slice %arg3[%add3A_22] : memref<320000xf32, #tpu.memory_space<hbm>> -> memref<2000xf32, #tpu.memory_space<hbm>>
      %dma_start3A_42 = tpu.memref_slice %arg3[%add3A_22] : memref<320000xf32, #tpu.memory_space<hbm>> -> memref<2000xf32, #tpu.memory_space<hbm>>
      %dma_start3A_43 = arith.constant 0 : i32
      %dma_start3A_44 = tpu.memref_slice %arg5[%dma_start3A_43] : memref<10000xf32, #tpu.memory_space<vmem>> -> memref<2000xf32, #tpu.memory_space<vmem>>
      tpu.enqueue_dma source(%dma_start3A_44 : memref<2000xf32, #tpu.memory_space<vmem>>) target(%dma_start3A_42 : memref<2000xf32, #tpu.memory_space<hbm>>) target_semaphore(%run_scoped3A : memref<!tpu.dma_semaphore, #tpu.memory_space<semaphore_mem>>)
      %dma_wait3A_45 = arith.constant 0 : i32
      %dma_wait3A_46 = tpu.memref_slice %arg5[%dma_wait3A_45] : memref<10000xf32, #tpu.memory_space<vmem>> -> memref<2000xf32, #tpu.memory_space<vmem>>
      %dma_wait3A_47 = tpu.memref_slice %arg3[%add3A_22] : memref<320000xf32, #tpu.memory_space<hbm>> -> memref<2000xf32, #tpu.memory_space<hbm>>
      %dma_wait3A_48 = tpu.memref_slice %arg3[%add3A_22] : memref<320000xf32, #tpu.memory_space<hbm>> -> memref<2000xf32, #tpu.memory_space<hbm>>
      %dma_wait3A_49 = arith.constant 0 : i32
      %dma_wait3A_50 = tpu.memref_slice %arg5[%dma_wait3A_49] : memref<10000xf32, #tpu.memory_space<vmem>> -> memref<2000xf32, #tpu.memory_space<vmem>>
      tpu.wait_dma2 semaphore(%run_scoped3A : memref<!tpu.dma_semaphore, #tpu.memory_space<semaphore_mem>>) src(%dma_wait3A_50 : memref<2000xf32, #tpu.memory_space<vmem>>) dst(%dma_wait3A_48 : memref<2000xf32, #tpu.memory_space<hbm>>)
      tpu.yield
    }) : () -> ()
    %mul3A_23 = arith.constant 2000 : i32
    %mul3A_24 = arith.muli %add3A, %mul3A_23 : i32
    %add3A_25 = arith.constant 64000 : i32
    %add3A_26 = arith.addi %add3A_25, %mul3A_24 : i32
    "tpu.region"() ({
      %run_scoped3A = tpu.sem_alloc : memref<!tpu.dma_semaphore, #tpu.memory_space<semaphore_mem>>
      %dma_start3A_39 = arith.constant 2000 : i32
      %dma_start3A_40 = tpu.memref_slice %arg5[%dma_start3A_39] : memref<10000xf32, #tpu.memory_space<vmem>> -> memref<2000xf32, #tpu.memory_space<vmem>>
      %dma_start3A_41 = tpu.memref_slice %arg3[%add3A_26] : memref<320000xf32, #tpu.memory_space<hbm>> -> memref<2000xf32, #tpu.memory_space<hbm>>
      %dma_start3A_42 = tpu.memref_slice %arg3[%add3A_26] : memref<320000xf32, #tpu.memory_space<hbm>> -> memref<2000xf32, #tpu.memory_space<hbm>>
      %dma_start3A_43 = arith.constant 2000 : i32
      %dma_start3A_44 = tpu.memref_slice %arg5[%dma_start3A_43] : memref<10000xf32, #tpu.memory_space<vmem>> -> memref<2000xf32, #tpu.memory_space<vmem>>
      tpu.enqueue_dma source(%dma_start3A_44 : memref<2000xf32, #tpu.memory_space<vmem>>) target(%dma_start3A_42 : memref<2000xf32, #tpu.memory_space<hbm>>) target_semaphore(%run_scoped3A : memref<!tpu.dma_semaphore, #tpu.memory_space<semaphore_mem>>)
      %dma_wait3A_45 = arith.constant 2000 : i32
      %dma_wait3A_46 = tpu.memref_slice %arg5[%dma_wait3A_45] : memref<10000xf32, #tpu.memory_space<vmem>> -> memref<2000xf32, #tpu.memory_space<vmem>>
      %dma_wait3A_47 = tpu.memref_slice %arg3[%add3A_26] : memref<320000xf32, #tpu.memory_space<hbm>> -> memref<2000xf32, #tpu.memory_space<hbm>>
      %dma_wait3A_48 = tpu.memref_slice %arg3[%add3A_26] : memref<320000xf32, #tpu.memory_space<hbm>> -> memref<2000xf32, #tpu.memory_space<hbm>>
      %dma_wait3A_49 = arith.constant 2000 : i32
      %dma_wait3A_50 = tpu.memref_slice %arg5[%dma_wait3A_49] : memref<10000xf32, #tpu.memory_space<vmem>> -> memref<2000xf32, #tpu.memory_space<vmem>>
      tpu.wait_dma2 semaphore(%run_scoped3A : memref<!tpu.dma_semaphore, #tpu.memory_space<semaphore_mem>>) src(%dma_wait3A_50 : memref<2000xf32, #tpu.memory_space<vmem>>) dst(%dma_wait3A_48 : memref<2000xf32, #tpu.memory_space<hbm>>)
      tpu.yield
    }) : () -> ()
    %mul3A_27 = arith.constant 2000 : i32
    %mul3A_28 = arith.muli %add3A, %mul3A_27 : i32
    %add3A_29 = arith.constant 128000 : i32
    %add3A_30 = arith.addi %add3A_29, %mul3A_28 : i32
    "tpu.region"() ({
      %run_scoped3A = tpu.sem_alloc : memref<!tpu.dma_semaphore, #tpu.memory_space<semaphore_mem>>
      %dma_start3A_39 = arith.constant 4000 : i32
      %dma_start3A_40 = tpu.memref_slice %arg5[%dma_start3A_39] : memref<10000xf32, #tpu.memory_space<vmem>> -> memref<2000xf32, #tpu.memory_space<vmem>>
      %dma_start3A_41 = tpu.memref_slice %arg3[%add3A_30] : memref<320000xf32, #tpu.memory_space<hbm>> -> memref<2000xf32, #tpu.memory_space<hbm>>
      %dma_start3A_42 = tpu.memref_slice %arg3[%add3A_30] : memref<320000xf32, #tpu.memory_space<hbm>> -> memref<2000xf32, #tpu.memory_space<hbm>>
      %dma_start3A_43 = arith.constant 4000 : i32
      %dma_start3A_44 = tpu.memref_slice %arg5[%dma_start3A_43] : memref<10000xf32, #tpu.memory_space<vmem>> -> memref<2000xf32, #tpu.memory_space<vmem>>
      tpu.enqueue_dma source(%dma_start3A_44 : memref<2000xf32, #tpu.memory_space<vmem>>) target(%dma_start3A_42 : memref<2000xf32, #tpu.memory_space<hbm>>) target_semaphore(%run_scoped3A : memref<!tpu.dma_semaphore, #tpu.memory_space<semaphore_mem>>)
      %dma_wait3A_45 = arith.constant 4000 : i32
      %dma_wait3A_46 = tpu.memref_slice %arg5[%dma_wait3A_45] : memref<10000xf32, #tpu.memory_space<vmem>> -> memref<2000xf32, #tpu.memory_space<vmem>>
      %dma_wait3A_47 = tpu.memref_slice %arg3[%add3A_30] : memref<320000xf32, #tpu.memory_space<hbm>> -> memref<2000xf32, #tpu.memory_space<hbm>>
      %dma_wait3A_48 = tpu.memref_slice %arg3[%add3A_30] : memref<320000xf32, #tpu.memory_space<hbm>> -> memref<2000xf32, #tpu.memory_space<hbm>>
      %dma_wait3A_49 = arith.constant 4000 : i32
      %dma_wait3A_50 = tpu.memref_slice %arg5[%dma_wait3A_49] : memref<10000xf32, #tpu.memory_space<vmem>> -> memref<2000xf32, #tpu.memory_space<vmem>>
      tpu.wait_dma2 semaphore(%run_scoped3A : memref<!tpu.dma_semaphore, #tpu.memory_space<semaphore_mem>>) src(%dma_wait3A_50 : memref<2000xf32, #tpu.memory_space<vmem>>) dst(%dma_wait3A_48 : memref<2000xf32, #tpu.memory_space<hbm>>)
      tpu.yield
    }) : () -> ()
    %mul3A_31 = arith.constant 2000 : i32
    %mul3A_32 = arith.muli %add3A, %mul3A_31 : i32
    %add3A_33 = arith.constant 192000 : i32
    %add3A_34 = arith.addi %add3A_33, %mul3A_32 : i32
    "tpu.region"() ({
      %run_scoped3A = tpu.sem_alloc : memref<!tpu.dma_semaphore, #tpu.memory_space<semaphore_mem>>
      %dma_start3A_39 = arith.constant 6000 : i32
      %dma_start3A_40 = tpu.memref_slice %arg5[%dma_start3A_39] : memref<10000xf32, #tpu.memory_space<vmem>> -> memref<2000xf32, #tpu.memory_space<vmem>>
      %dma_start3A_41 = tpu.memref_slice %arg3[%add3A_34] : memref<320000xf32, #tpu.memory_space<hbm>> -> memref<2000xf32, #tpu.memory_space<hbm>>
      %dma_start3A_42 = tpu.memref_slice %arg3[%add3A_34] : memref<320000xf32, #tpu.memory_space<hbm>> -> memref<2000xf32, #tpu.memory_space<hbm>>
      %dma_start3A_43 = arith.constant 6000 : i32
      %dma_start3A_44 = tpu.memref_slice %arg5[%dma_start3A_43] : memref<10000xf32, #tpu.memory_space<vmem>> -> memref<2000xf32, #tpu.memory_space<vmem>>
      tpu.enqueue_dma source(%dma_start3A_44 : memref<2000xf32, #tpu.memory_space<vmem>>) target(%dma_start3A_42 : memref<2000xf32, #tpu.memory_space<hbm>>) target_semaphore(%run_scoped3A : memref<!tpu.dma_semaphore, #tpu.memory_space<semaphore_mem>>)
      %dma_wait3A_45 = arith.constant 6000 : i32
      %dma_wait3A_46 = tpu.memref_slice %arg5[%dma_wait3A_45] : memref<10000xf32, #tpu.memory_space<vmem>> -> memref<2000xf32, #tpu.memory_space<vmem>>
      %dma_wait3A_47 = tpu.memref_slice %arg3[%add3A_34] : memref<320000xf32, #tpu.memory_space<hbm>> -> memref<2000xf32, #tpu.memory_space<hbm>>
      %dma_wait3A_48 = tpu.memref_slice %arg3[%add3A_34] : memref<320000xf32, #tpu.memory_space<hbm>> -> memref<2000xf32, #tpu.memory_space<hbm>>
      %dma_wait3A_49 = arith.constant 6000 : i32
      %dma_wait3A_50 = tpu.memref_slice %arg5[%dma_wait3A_49] : memref<10000xf32, #tpu.memory_space<vmem>> -> memref<2000xf32, #tpu.memory_space<vmem>>
      tpu.wait_dma2 semaphore(%run_scoped3A : memref<!tpu.dma_semaphore, #tpu.memory_space<semaphore_mem>>) src(%dma_wait3A_50 : memref<2000xf32, #tpu.memory_space<vmem>>) dst(%dma_wait3A_48 : memref<2000xf32, #tpu.memory_space<hbm>>)
      tpu.yield
    }) : () -> ()
    %mul3A_35 = arith.constant 2000 : i32
    %mul3A_36 = arith.muli %add3A, %mul3A_35 : i32
    %add3A_37 = arith.constant 256000 : i32
    %add3A_38 = arith.addi %add3A_37, %mul3A_36 : i32
    "tpu.region"() ({
      %run_scoped3A = tpu.sem_alloc : memref<!tpu.dma_semaphore, #tpu.memory_space<semaphore_mem>>
      %dma_start3A_39 = arith.constant 8000 : i32
      %dma_start3A_40 = tpu.memref_slice %arg5[%dma_start3A_39] : memref<10000xf32, #tpu.memory_space<vmem>> -> memref<2000xf32, #tpu.memory_space<vmem>>
      %dma_start3A_41 = tpu.memref_slice %arg3[%add3A_38] : memref<320000xf32, #tpu.memory_space<hbm>> -> memref<2000xf32, #tpu.memory_space<hbm>>
      %dma_start3A_42 = tpu.memref_slice %arg3[%add3A_38] : memref<320000xf32, #tpu.memory_space<hbm>> -> memref<2000xf32, #tpu.memory_space<hbm>>
      %dma_start3A_43 = arith.constant 8000 : i32
      %dma_start3A_44 = tpu.memref_slice %arg5[%dma_start3A_43] : memref<10000xf32, #tpu.memory_space<vmem>> -> memref<2000xf32, #tpu.memory_space<vmem>>
      tpu.enqueue_dma source(%dma_start3A_44 : memref<2000xf32, #tpu.memory_space<vmem>>) target(%dma_start3A_42 : memref<2000xf32, #tpu.memory_space<hbm>>) target_semaphore(%run_scoped3A : memref<!tpu.dma_semaphore, #tpu.memory_space<semaphore_mem>>)
      %dma_wait3A_45 = arith.constant 8000 : i32
      %dma_wait3A_46 = tpu.memref_slice %arg5[%dma_wait3A_45] : memref<10000xf32, #tpu.memory_space<vmem>> -> memref<2000xf32, #tpu.memory_space<vmem>>
      %dma_wait3A_47 = tpu.memref_slice %arg3[%add3A_38] : memref<320000xf32, #tpu.memory_space<hbm>> -> memref<2000xf32, #tpu.memory_space<hbm>>
      %dma_wait3A_48 = tpu.memref_slice %arg3[%add3A_38] : memref<320000xf32, #tpu.memory_space<hbm>> -> memref<2000xf32, #tpu.memory_space<hbm>>
      %dma_wait3A_49 = arith.constant 8000 : i32
      %dma_wait3A_50 = tpu.memref_slice %arg5[%dma_wait3A_49] : memref<10000xf32, #tpu.memory_space<vmem>> -> memref<2000xf32, #tpu.memory_space<vmem>>
      tpu.wait_dma2 semaphore(%run_scoped3A : memref<!tpu.dma_semaphore, #tpu.memory_space<semaphore_mem>>) src(%dma_wait3A_50 : memref<2000xf32, #tpu.memory_space<vmem>>) dst(%dma_wait3A_48 : memref<2000xf32, #tpu.memory_space<hbm>>)
      tpu.yield
    }) : () -> ()
    return
  }
}

module attributes {stable_mosaic.version = 14 : i64} {
  func.func @_gmm_body(%arg0: i32, %arg1: memref<2000x128xf32, #tpu.memory_space<vmem>>, %arg2: memref<128x128xf32, #tpu.memory_space<vmem>>, %arg3: memref<1x32x2000xf32, #tpu.memory_space<vmem>>, %arg4: memref<2000x128xf32, #tpu.memory_space<vmem>>) attributes {dimension_semantics = [#tpu.dimension_semantics<arbitrary>], iteration_bounds = array<i64: 5>, scalar_prefetch = 0 : i64, scratch_operands = 0 : i64, tpu.core_type = #tpu.core_type<tc>, window_params = [{transform_indices = @transform_0, window_bounds = array<i64: 2000, 128>}, {pipeline_mode = #tpu.pipeline_mode<synchronous>, transform_indices = @transform_1, window_bounds = array<i64: 128, 128>}, {transform_indices = @transform_2, window_bounds = array<i64: 1, 32, 2000>}, {transform_indices = @transform_3, window_bounds = array<i64: 2000, 128>}]} {
    %get3A = arith.constant 0 : index
    %get3A_0 = arith.constant 0 : index
    %get3A_1 = vector.load %arg1[%get3A, %get3A_0] : memref<2000x128xf32, #tpu.memory_space<vmem>>, vector<2000x128xf32>
    %get3A_2 = arith.constant 0 : index
    %get3A_3 = arith.constant 0 : index
    %get3A_4 = vector.load %arg2[%get3A_2, %get3A_3] : memref<128x128xf32, #tpu.memory_space<vmem>>, vector<128x128xf32>
    %dot_general3A = arith.constant dense<0.000000e+00> : vector<2000x128xf32>
    %dot_general3A_5 = tpu.matmul %get3A_1, %get3A_4, %dot_general3A {dimension_numbers = #tpu.dot_dimension_numbers<[1], [0], [0], [1], [0, 0, 1, 1], [], []>, precision = #tpu.contract_precision<fp32>, transpose_lhs_hint = false} : vector<2000x128xf32>, vector<128x128xf32>, vector<2000x128xf32> -> vector<2000x128xf32>
    %get3A_6 = arith.constant 0 : index
    %get3A_7 = arith.constant 0 : index
    %get3A_8 = arith.constant 0 : index
    %get3A_9 = vector.load %arg3[%get3A_6, %get3A_7, %get3A_8] : memref<1x32x2000xf32, #tpu.memory_space<vmem>>, vector<1x32x2000xf32>
    %get3A_10 = vector.shape_cast %get3A_9 : vector<1x32x2000xf32> to vector<32x2000xf32>
    %reduce_sum3A = arith.constant dense<0.000000e+00> : vector<2000xf32>
    %reduce_sum3A_11 = vector.multi_reduction <add>, %get3A_10, %reduce_sum3A [0] : vector<32x2000xf32> to vector<2000xf32>
    %add3A = arith.constant 1.000000e+00 : f32
    %add3A_12 = vector.broadcast %add3A : f32 to vector<2000xf32>
    %add3A_13 = arith.addf %reduce_sum3A_11, %add3A_12 : vector<2000xf32>
    %rsqrt3A = math.rsqrt %add3A_13 : vector<2000xf32>
    %broadcast_in_dim3A = vector.shape_cast %rsqrt3A : vector<2000xf32> to vector<2000x1xf32>
    %mul3A = vector.broadcast %broadcast_in_dim3A : vector<2000x1xf32> to vector<2000x128xf32>
    %mul3A_14 = arith.mulf %dot_general3A_5, %mul3A : vector<2000x128xf32>
    %swap3A = arith.constant 0 : index
    %swap3A_15 = arith.constant 0 : index
    %swap3A_16 = vector.load %arg4[%swap3A, %swap3A_15] : memref<2000x128xf32, #tpu.memory_space<vmem>>, vector<2000x128xf32>
    tpu.vector_store %arg4[%swap3A, %swap3A_15], %mul3A_14 {strides = array<i32>} : memref<2000x128xf32, #tpu.memory_space<vmem>>, vector<2000x128xf32>,
    return
  }
  func.func @transform_0(%arg0: i32) -> (i32, i32) {
    %c0_i32 = arith.constant 0 : i32
    %c0_i32_0 = arith.constant 0 : i32
    return %arg0, %c0_i32 : i32, i32
  }
  func.func @transform_1(%arg0: i32) -> (i32, i32) {
    %c0_i32 = arith.constant 0 : i32
    %c0_i32_0 = arith.constant 0 : i32
    %c0_i32_1 = arith.constant 0 : i32
    return %c0_i32, %c0_i32_0 : i32, i32
  }
  func.func @transform_2(%arg0: i32) -> (i32, i32, i32) {
    %c0_i32 = arith.constant 0 : i32
    %c0_i32_0 = arith.constant 0 : i32
    %c0_i32_1 = arith.constant 0 : i32
    return %arg0, %c0_i32, %c0_i32_0 : i32, i32, i32
  }
  func.func @transform_3(%arg0: i32) -> (i32, i32) {
    %c0_i32 = arith.constant 0 : i32
    %c0_i32_0 = arith.constant 0 : i32
    return %arg0, %c0_i32 : i32, i32
  }
}

module attributes {stable_mosaic.version = 14 : i64} {
  func.func @_epi_body(%arg0: i32, %arg1: memref<2x2000x128xf32, #tpu.memory_space<vmem>>, %arg2: memref<2000x128xf32, #tpu.memory_space<vmem>>, %arg3: memref<1x32x2000xf32, #tpu.memory_space<vmem>>, %arg4: memref<1x128xf32, #tpu.memory_space<vmem>>, %arg5: memref<1x128xf32, #tpu.memory_space<vmem>>, %arg6: memref<1x128xf32, #tpu.memory_space<vmem>>, %arg7: memref<2000x128xf32, #tpu.memory_space<vmem>>) attributes {dimension_semantics = [#tpu.dimension_semantics<arbitrary>], iteration_bounds = array<i64: 5>, scalar_prefetch = 0 : i64, scratch_operands = 0 : i64, tpu.core_type = #tpu.core_type<tc>, window_params = [{transform_indices = @transform_0, window_bounds = array<i64: 2, 2000, 128>}, {transform_indices = @transform_1, window_bounds = array<i64: 2000, 128>}, {transform_indices = @transform_2, window_bounds = array<i64: 1, 32, 2000>}, {pipeline_mode = #tpu.pipeline_mode<synchronous>, transform_indices = @transform_3, window_bounds = array<i64: 1, 128>}, {pipeline_mode = #tpu.pipeline_mode<synchronous>, transform_indices = @transform_4, window_bounds = array<i64: 1, 128>}, {pipeline_mode = #tpu.pipeline_mode<synchronous>, transform_indices = @transform_5, window_bounds = array<i64: 1, 128>}, {transform_indices = @transform_6, window_bounds = array<i64: 2000, 128>}]} {
    %get3A = arith.constant 0 : index
    %get3A_0 = arith.constant 0 : index
    %get3A_1 = arith.constant 0 : index
    %get3A_2 = vector.load %arg3[%get3A, %get3A_0, %get3A_1] : memref<1x32x2000xf32, #tpu.memory_space<vmem>>, vector<1x32x2000xf32>
    %get3A_3 = vector.shape_cast %get3A_2 : vector<1x32x2000xf32> to vector<32x2000xf32>
    %reduce_sum3A = arith.constant dense<0.000000e+00> : vector<2000xf32>
    %reduce_sum3A_4 = vector.multi_reduction <add>, %get3A_3, %reduce_sum3A [0] : vector<32x2000xf32> to vector<2000xf32>
    %add3A = arith.constant 1.000000e+00 : f32
    %add3A_5 = vector.broadcast %add3A : f32 to vector<2000xf32>
    %add3A_6 = arith.addf %reduce_sum3A_4, %add3A_5 : vector<2000xf32>
    %rsqrt3A = math.rsqrt %add3A_6 : vector<2000xf32>
    %get3A_7 = arith.constant 0 : index
    %get3A_8 = arith.constant 0 : index
    %get3A_9 = arith.constant 0 : index
    %get3A_10 = vector.load %arg1[%get3A_7, %get3A_8, %get3A_9] : memref<2x2000x128xf32, #tpu.memory_space<vmem>>, vector<1x2000x128xf32>
    %get3A_11 = vector.shape_cast %get3A_10 : vector<1x2000x128xf32> to vector<2000x128xf32>
    %get3A_12 = arith.constant 1 : index
    %get3A_13 = arith.constant 0 : index
    %get3A_14 = arith.constant 0 : index
    %get3A_15 = vector.load %arg1[%get3A_12, %get3A_13, %get3A_14] : memref<2x2000x128xf32, #tpu.memory_space<vmem>>, vector<1x2000x128xf32>
    %get3A_16 = vector.shape_cast %get3A_15 : vector<1x2000x128xf32> to vector<2000x128xf32>
    %add3A_17 = arith.addf %get3A_11, %get3A_16 : vector<2000x128xf32>
    %get3A_18 = arith.constant 0 : index
    %get3A_19 = arith.constant 0 : index
    %get3A_20 = vector.load %arg2[%get3A_18, %get3A_19] : memref<2000x128xf32, #tpu.memory_space<vmem>>, vector<2000x128xf32>
    %add3A_21 = arith.addf %add3A_17, %get3A_20 : vector<2000x128xf32>
    %broadcast_in_dim3A = vector.shape_cast %rsqrt3A : vector<2000xf32> to vector<2000x1xf32>
    %mul3A = vector.broadcast %broadcast_in_dim3A : vector<2000x1xf32> to vector<2000x128xf32>
    %mul3A_22 = arith.mulf %add3A_21, %mul3A : vector<2000x128xf32>
    %get3A_23 = arith.constant 0 : index
    %get3A_24 = arith.constant 0 : index
    %get3A_25 = vector.load %arg4[%get3A_23, %get3A_24] : memref<1x128xf32, #tpu.memory_space<vmem>>, vector<1x128xf32>
    %add3A_26 = vector.broadcast %get3A_25 : vector<1x128xf32> to vector<2000x128xf32>
    %add3A_27 = arith.addf %mul3A_22, %add3A_26 : vector<2000x128xf32>
    %get3A_28 = arith.constant 0 : index
    %get3A_29 = arith.constant 0 : index
    %get3A_30 = vector.load %arg5[%get3A_28, %get3A_29] : memref<1x128xf32, #tpu.memory_space<vmem>>, vector<1x128xf32>
    %mul3A_31 = vector.broadcast %get3A_30 : vector<1x128xf32> to vector<2000x128xf32>
    %mul3A_32 = arith.mulf %add3A_27, %mul3A_31 : vector<2000x128xf32>
    %get3A_33 = arith.constant 0 : index
    %get3A_34 = arith.constant 0 : index
    %get3A_35 = vector.load %arg6[%get3A_33, %get3A_34] : memref<1x128xf32, #tpu.memory_space<vmem>>, vector<1x128xf32>
    %add3A_36 = vector.broadcast %get3A_35 : vector<1x128xf32> to vector<2000x128xf32>
    %add3A_37 = arith.addf %mul3A_32, %add3A_36 : vector<2000x128xf32>
    %max3A = arith.constant 0.000000e+00 : f32
    %max3A_38 = vector.broadcast %max3A : f32 to vector<2000x128xf32>
    %max3A_39 = arith.maximumf %add3A_37, %max3A_38 : vector<2000x128xf32>
    %swap3A = arith.constant 0 : index
    %swap3A_40 = arith.constant 0 : index
    %swap3A_41 = vector.load %arg7[%swap3A, %swap3A_40] : memref<2000x128xf32, #tpu.memory_space<vmem>>, vector<2000x128xf32>
    tpu.vector_store %arg7[%swap3A, %swap3A_40], %max3A_39 {strides = array<i32>} : memref<2000x128xf32, #tpu.memory_space<vmem>>, vector<2000x128xf32>,
    return
  }
  func.func @transform_0(%arg0: i32) -> (i32, i32, i32) {
    %c0_i32 = arith.constant 0 : i32
    %c0_i32_0 = arith.constant 0 : i32
    %c0_i32_1 = arith.constant 0 : i32
    return %c0_i32, %arg0, %c0_i32_0 : i32, i32, i32
  }
  func.func @transform_1(%arg0: i32) -> (i32, i32) {
    %c0_i32 = arith.constant 0 : i32
    %c0_i32_0 = arith.constant 0 : i32
    return %arg0, %c0_i32 : i32, i32
  }
  func.func @transform_2(%arg0: i32) -> (i32, i32, i32) {
    %c0_i32 = arith.constant 0 : i32
    %c0_i32_0 = arith.constant 0 : i32
    %c0_i32_1 = arith.constant 0 : i32
    return %arg0, %c0_i32, %c0_i32_0 : i32, i32, i32
  }
  func.func @transform_3(%arg0: i32) -> (i32, i32) {
    %c0_i32 = arith.constant 0 : i32
    %c0_i32_0 = arith.constant 0 : i32
    %c0_i32_1 = arith.constant 0 : i32
    return %c0_i32, %c0_i32_0 : i32, i32
  }
  func.func @transform_4(%arg0: i32) -> (i32, i32) {
    %c0_i32 = arith.constant 0 : i32
    %c0_i32_0 = arith.constant 0 : i32
    %c0_i32_1 = arith.constant 0 : i32
    return %c0_i32, %c0_i32_0 : i32, i32
  }
  func.func @transform_5(%arg0: i32) -> (i32, i32) {
    %c0_i32 = arith.constant 0 : i32
    %c0_i32_0 = arith.constant 0 : i32
    %c0_i32_1 = arith.constant 0 : i32
    return %c0_i32, %c0_i32_0 : i32, i32
  }
  func.func @transform_6(%arg0: i32) -> (i32, i32) {
    %c0_i32 = arith.constant 0 : i32
    %c0_i32_0 = arith.constant 0 : i32
    return %arg0, %c0_i32 : i32, i32
  }
}

</mosaic_0001>

<sc_bundles>
// kernel: kernel.6.cloned.1.call-start
scs
__scs_entry_jumppad:
0x0: {  	(pc) =	sbr.rel $0x88, $3  }
0x1: {  	(tag) =	ssettag $0x0;
	lr =	simm.s32 $0x1  }
0x2: {  	[smem:$0x3F99] =	sst lr;
	_ =	strace $0xD0000000  }
0x3: {  	_ = 	snop  }
0x4: {  	_ = 	snop  }
0x5: {  	_ = 	snop  }
0x6: {  	_ = 	snop  }
0x7: {  	_ = 	snop  }
__scs_overlays_trampoline_lowered:
0x8: {  	[smem:$0x3FA8] =	sst s0  }
0x9: {  	[smem:$0x3FA9] =	sst s1  }
0xa: {  	[smem:$0x3FAA] =	sst s2  }
0xb: {  	[smem:$0x3FAB] =	sst s3  }
0xc: {  	[smem:$0x3FAC] =	sst s4  }
0xd: {  	[smem:$0x3FAD] =	sst s5  }
0xe: {  	[smem:$0x3FAE] =	sst s6  }
0xf: {  	[smem:$0x3FAF] =	sst s7  }
0x10: {  	[smem:$0x3FB0] =	sst s8  }
0x11: {  	[smem:$0x3FB1] =	sst s9;
	s0 =	simm.s32 @!p0 $0x0  }
0x12: {  	s1 =	sld [smem:$0x3F97];
	s0 =	simm.s32 @p0 $0x1  }
0x13: {  	[smem:$0x3FB2] =	sst s0;
	s0 =	simm.s32 @!p1 $0x0  }
0x14: {  	s2 =	sld [smem:$0x3F96];
	s0 =	simm.s32 @p1 $0x1  }
0x15: {  	[smem:$0x3FB3] =	sst s0;
	s0 =	simm.s32 @!p2 $0x0  }
0x16: {  	s3 =	sld [smem:$0x3FDB];
	s0 =	simm.s32 @p2 $0x1  }
0x17: {  	s4 =	simm.s32 $0x1BF5;
	[smem:$0x3FB5] =	sst s0  }
0x18: {  	s0 =	sld [smem:$0x3F98];
	_ =	swait.ge [sflag:s4], $0x0  }
0x19: {  	s7 =	sld [smem:$0x3F99]  }
0x1a: {  	s8 =	sadd.s32 $0xFFFFE003, lr  }
0x1b: {  	s9 =	sadd.s32 $0xFFFFFEF7, lr;
	s5 =	simm.s32 $0xFFFFFFFF;
	p2 =	slt.u32 s8, $0xFFFFF086  }
0x1c: {  	p1 =	slt.u32 s9, $0xF7A;
	s5 =	simm.s32 @!p2 $0x0  }
0x1d: {  	s5 =	simm.s32 @p1 $0x1;
	p0 =	seq.s32 s7, s2  }
0x1e: {  	s7 =	smul.u32 @!p0 $0xF7A, s2;
	p2 =	seq.s32 @!p0 s5, $0x0  }
0x1f: {  	s9 =	smul.u32 $0xF7A, s1;
	s8 =	simm.s32 @!p0 $0x1BF5;
	p2 =	por !p2, p0  }
0x20: {  	[sflag:s8] =	ssyncset.s32 @!p0 $0xFFFFF086;
	s6 =	sadd.s32 @!p0 s3, s7;
	s7 =	simm.s32 @!p0 $0x108  }
0x21: {  	s3 =	sadd.s32 s3, s9;
	s6 =	sadd.s32 @!p0 $0x88, s6;
	s7 =	simm.s32 @p2 $0x1082  }
0x22: {  	[simem:s7], [sflag:s8] =	dma.local @!p0 [hbm:s6], $0xF7A  }
0x23: {  	s9 =	sor.u32 $0xD0000000, s2;
	s6 =	simm.s32 $0x108;
	_ =	swait.ge @!p0 [sflag:s8], $0x0  }
0x24: {  	s3 =	sadd.s32 $0x88, s3;
	s6 =	simm.s32 @!p1 $0x1082;
	[sflag:s4] =	ssyncset.s32 $0xFFFFF086  }
0x25: {  	[simem:s6], [sflag:s4] =	dma.local [hbm:s3], $0xF7A  }
0x26: {  	[smem:$0x3F99] =	sst s1;
	(tag) =	ssettag s2;
	_ =	strace s9  }
0x27: {  	s1 =	sld [smem:$0x3FA9]  }
0x28: {  	s2 =	sld [smem:$0x3FAA]  }
0x29: {  	s4 =	sld [smem:$0x3FAC]  }
0x2a: {  	p0 =	seq.s32 s5, $0x0;
	s5 =	sld [smem:$0x3FAD]  }
0x2b: {  	s6 =	sld [smem:$0x3FAE]  }
0x2c: {  	s7 =	sld [smem:$0x3FAF]  }
0x2d: {  	s3 =	simm.s32 $0x108;
	s8 =	sld [smem:$0x3FB0]  }
0x2e: {  	s3 =	simm.s32 @!p0 $0x1082;
	s9 =	sld [smem:$0x3FB1]  }
0x2f: {  	lr =	sadd.s32 s0, s3;
	s0 =	sld [smem:$0x3FA8]  }
0x30: {  	s3 =	sld [smem:$0x3FAB]  }
0x31: {  	[smem:$0x3FB4] =	sst s10  }
0x32: {  	s10 =	sld [smem:$0x3FB2];
	_ =	sdelay $0x3  }
0x33: {  	p0 =	seq.s32 s10, $0x1;
	s10 =	sld [smem:$0x3FB4];
	_ =	sdelay $0x3  }
0x34: {  	[smem:$0x3FB4] =	sst s10  }
0x35: {  	s10 =	sld [smem:$0x3FB3];
	_ =	sdelay $0x3  }
0x36: {  	p1 =	seq.s32 s10, $0x1;
	s10 =	sld [smem:$0x3FB4];
	_ =	sdelay $0x3  }
0x37: {  	[smem:$0x3FB4] =	sst s10  }
0x38: {  	s10 =	sld [smem:$0x3FB5]  }
0x39: {  	_ = 	snop;
	(pc) =	sbr.ind lr, $3  }
0x3a: {  	_ = 	snop  }
0x3b: {  	_ = 	snop  }
0x3c: {  	p2 =	seq.s32 s10, $0x1;
	s10 =	sld [smem:$0x3FB4]  }
0x3d: {  	_ =	shalt  }
0x3e: {  	_ =	shalt  }
0x3f: {  	_ =	shalt  }
0x40: {  	_ =	shalt  }
0x41: {  	_ =	shalt  }
0x42: {  	_ =	shalt  }
0x43: {  	_ =	shalt  }
0x44: {  	_ =	shalt  }
0x45: {  	_ =	shalt  }
0x46: {  	_ =	shalt  }
0x47: {  	_ =	shalt  }
0x48: {  	_ =	shalt  }
0x49: {  	_ =	shalt  }
0x4a: {  	_ =	shalt  }
0x4b: {  	_ =	shalt  }
0x4c: {  	_ =	shalt  }
0x4d: {  	_ =	shalt  }
0x4e: {  	_ =	shalt  }
0x4f: {  	_ =	shalt  }
0x50: {  	_ =	shalt  }
0x51: {  	_ =	shalt  }
0x52: {  	_ =	shalt  }
0x53: {  	_ =	shalt  }
0x54: {  	_ =	shalt  }
0x55: {  	_ =	shalt  }
0x56: {  	_ =	shalt  }
0x57: {  	_ =	shalt  }
0x58: {  	_ =	shalt  }
0x59: {  	_ =	shalt  }
0x5a: {  	_ =	shalt  }
0x5b: {  	_ =	shalt  }
0x5c: {  	_ =	shalt  }
0x5d: {  	_ =	shalt  }
0x5e: {  	_ =	shalt  }
0x5f: {  	_ =	shalt  }
0x60: {  	_ =	shalt  }
0x61: {  	_ =	shalt  }
0x62: {  	_ =	shalt  }
0x63: {  	_ =	shalt  }
0x64: {  	_ =	shalt  }
0x65: {  	_ =	shalt  }
0x66: {  	_ =	shalt  }
0x67: {  	_ =	shalt  }
0x68: {  	_ =	shalt  }
0x69: {  	_ =	shalt  }
0x6a: {  	_ =	shalt  }
0x6b: {  	_ =	shalt  }
0x6c: {  	_ =	shalt  }
0x6d: {  	_ =	shalt  }
0x6e: {  	_ =	shalt  }
0x6f: {  	_ =	shalt  }
0x70: {  	_ =	shalt  }
0x71: {  	_ =	shalt  }
0x72: {  	_ =	shalt  }
0x73: {  	_ =	shalt  }
0x74: {  	_ =	shalt  }
0x75: {  	_ =	shalt  }
0x76: {  	_ =	shalt  }
0x77: {  	_ =	shalt  }
0x78: {  	_ =	shalt  }
0x79: {  	_ =	shalt  }
0x7a: {  	_ =	shalt  }
0x7b: {  	_ =	shalt  }
0x7c: {  	_ =	shalt  }
0x7d: {  	_ =	shalt  }
0x7e: {  	_ =	shalt  }
0x7f: {  	_ =	shalt  }
0x80: {  	_ =	shalt  }
0x81: {  	_ =	shalt  }
0x82: {  	_ =	shalt  }
0x83: {  	_ =	shalt  }
0x84: {  	_ =	shalt  }
0x85: {  	_ =	shalt  }
0x86: {  	_ =	shalt  }
0x87: {  	_ =	shalt  }
.Lfunc_end0:
.L_simem_size_0:
called_computation_lowered:
.L_overlay_start_0:
0x88: {  	s2 =	sld [smem:$0x3FD9]  }
0x89: {  	s3 =	sld [smem:$0x3FFE];
	_ =	sdelay $0x1  }
0x8a: {  	s1 =	srdreg.scid  }
0x8b: {  	s0 =	sand.u32 $0x1, s1  }
0x8c: {  	s17 =	sshll.u32 s0, $0xA;
	s2 =	sadd.s32 s3, s2  }
0x8d: {  	s2 =	sadd.s32 s2, s17  }
0x8e: {  	[smem:$0x3FC0] =	sst s2  }
0x8f: {  	_ = 	snop  }
0x90: {  	s2 =	sld [smem:$0x3FD0];
	(tm) =	ssettm $0x1  }
0x91: {  	s18 =	sld [smem:$0x3FFB];
	_ =	sdelay $0x3  }
0x92: {  	_ =	strace s18  }
0x93: {  	s3 =	sld [smem:$0x3FFC];
	_ =	sdelay $0x3  }
0x94: {  	_ =	strace s3  }
0x95: {  	s3 =	sld [smem:$0x3FFD];
	_ =	sdelay $0x3  }
0x96: {  	_ =	strace s3  }
0x97: {  	_ =	strace $0x8FFFFFFF  }
0x98: {  	s19 =	sld [smem:$0x3FDB];
	_ =	sdelay $0x1  }
0x99: {  	s4 =	simm.s32 $_scs_section_size  }
0x9a: {  	s5 =	simm.s32 $_size__tile_overlayer_lowered;
	s6 =	simm.s32 $_tile_overlayer_lowered  }
0x9b: {  	s22 =	simm.s32 $0x1BFF;
	s21 =	sshll.u32 s6, $0x1;
	s3 =	sadd.s32 s4, s19  }
0x9c: {  	s7 =	simm.s32 $0x0;
	s20 =	sshll.u32 s5, $0x1;
	s5 =	sadd.s32 s21, s3  }
0x9d: {  	[timem:s7], [sflag:s22] =	dma.local [hbm:s5], s20  }
0x9e: {  	_ =	swait.ge [sflag:s22], s20  }
0x9f: {  	s4 =	ssub.s32 $0x0, s20;
	[sflag:s22] =	ssyncset.done $0x0  }
0xa0: {  	[sflag:s22] =	ssyncadd.s32 s4;
	_ =	sdelay $0x1  }
0xa1: {  	s23 =	simm.s32 $0x1B8B  }
0xa2: {  	_ =	swait.ge [sflag:s23], $0x1  }
0xa3: {  	[sflag:s23] =	ssyncset.done $0x0  }
0xa4: {  	s25 =	simm.s32 $0x1B8E;
	s24 =	sld [smem:$0x3FFE];
	[sflag:s23] =	ssyncadd.s32 $0xFFFFFFFF  }
0xa5: {  	s26 =	simm.s32 $execute0_lowered;
	[smem:$0x3FD2] =	sst s25  }
0xa6: {  	s5 =	sshll.u32 s26, $0x1;
	_ =	strace $0x80000046;
	[dreg:$0x1] =	wrdreg $0xFFFFFFFF  }
0xa7: {  	s28 =	simm.s32 $_size_execute0_lowered;
	s3 =	sadd.s32 s3, s5;
	[dreg:$0x0] =	wrdreg $0x0  }
0xa8: {  	s5 =	sshll.u32 s28, $0x1;
	[dreg:$0x2] =	wrdreg s3  }
0xa9: {  	[dreg:$0x3] =	wrdreg s5  }
0xaa: {  	[dreg:$0x4] =	wrdreg $0xC0  }
0xab: {  	_ =	task [dreg:s7], $0x5FFFF  }
0xac: {  	[dreg:$0x1] =	wrdreg $0xFFFFFFFF  }
0xad: {  	[dreg:$0x0] =	wrdreg $0x60  }
0xae: {  	[dreg:$0x2] =	wrdreg s24  }
0xaf: {  	[dreg:$0x3] =	wrdreg s2  }
0xb0: {  	[dreg:$0x4] =	wrdreg $0x9  }
0xb1: {  	_ =	task.clear_ibuf [dreg:s7], $0x5FFFF;
	_ =	strace $0x90000046  }
0xb2: {  	s29 =	simm.s32 $0x9;
	_ =	strace $0x80000048  }
0xb3: {  	_ =	swait.ge [sflag:s29], $0x1  }
0xb4: {  	[sflag:s29] =	ssyncadd.s32 $0xFFFFFFFF  }
0xb5: {  	_ =	strace $0x90000048  }
0xb6: {  	_ =	sfence  }
0xb7: {  	s30 =	sld [smem:$0x0];
	_ =	sdelay $0x2  }
0xb8: {  	s31 =	sshll.u32 s1, $0xD;
	s1 =	sshrl.u32 s1, $0x2  }
0xb9: {  	s3 =	sand.u32 $0x4000, s31;
	s1 =	sadd.s32 s1, s30  }
0xba: {  	s0 =	sor.u32 s3, s0;
	s1 =	sshll.u32 s1, $0x11  }
0xbb: {  	s0 =	sor.u32 s1, s0  }
0xbc: {  	s0 =	sadd.s32 $0x8F2B, s0  }
0xbd: {  	[sflag:s0] =	ssyncadd.remote.s32 $0x1  }
0xbe: {  	_ =	sfence.sel $0xFFFF  }
0xbf: {  	[dreg:$0x0] =	wrdreg $0xFFFFFFFF;
	(pc) =	sbr.abs _section_cstart, $3  }
0xc0: {  	[dreg:$0x1] =	wrdreg $0xFFFFFFFF  }
0xc1: {  	_ =	task.clear_ibuf [dreg:s7], $0x2FFFF;
	_ =	strace $0x9FFFFFFF  }
0xc2: {  	(tm) =	ssettm $0x7FFFFFFF  }
0xc3: {  	_ =	shalt  }
tec
execute0_lowered:
.L_overlay_start_1:
0x0: {  	(tag) =	ssettag $0x1  }
0x1: {  	s4 =	rddreg [dreg:$0x0]  }
0x2: {  	s0 =	srdreg.scid;
	s5 =	rddreg [dreg:$0x1]  }
0x3: {  	s2 =	simm.s32 $0x0;
	s10 =	simm.s32 $0x1;
	s11 =	simm.s32 $0x2780  }
0x4: {  	s12 =	simm.s32 $0x2;
	s13 =	simm.s32 $0x2F50;
	s3 =	sand.u32 $0x1, s0  }
0x5: {  	s14 =	simm.s32 $0x3720;
	s0 =	stileid.u32;
	s1 =	sshll.u32 s3, $0x4  }
0x6: {  	s15 =	simm.s32 $0x3EF0;
	s16 =	simm.s32 $0x46C0;
	s6 =	sor.u32 s0, s1  }
0x7: {  	s17 =	simm.s32 $0x0;
	[smem:$0x7FF] =	sst s2;
	s7 =	smul.u32 $0x7D0, s6  }
0x8: {  	s8 =	ssub.s32 $0x2, s3;
	s1 =	rddreg [dreg:$0x2];
	s6 =	smul.u32 $0x4E2, s6  }
0x9: {  	_ =	strace $0x80000047;
	s31 =	sshrl.u32 s8, $0x1;
	s30 =	sshrl.u32 s7, $0x3  }
0xa: {  	s9 =	ssub.s32 s8, s31;
	s4 =	sadd.s32 s6, s4;
	s3 =	sadd.s32 s5, s30  }
0xb: {  	s9 =	smax.u32 s9, $0x1;
	s4 =	sadd.s32 $0x2200, s4;
	s5 =	sadd.s32 $0x1F40, s3  }
0xc: {  	v0 =	vimm.f32 $0.0e+00;
	v1 =	vimm.f32 $1.000000000e+00;
	s6 =	sadd.s32 $0x3E80, s3;
	s7 =	sadd.s32 $0x5DC0, s3;
	s8 =	sadd.s32 $0x7D00, s3  }
.LBB2_1:
0xd: {  	[tilespmem:s2], [sflag:$0x1] =	stream.linear.gather [hbm4b:s4+s2], $0x2710, $0x38;
	[tilespmem:$0x4F00] =	vst v63  }
0xe: {  	s18 =	simm.s32 $0x40;
	s19 =	simm.s32 $0x0  }
.LBB2_2:
0xf: {  	p0 =	sne.s32 s18, $0x9C00;
	[tilespmem:s19+$0x2780] =	vst v0;
	s19 =	smov.u32 s18;
	s18 =	sadd.s32 $0x40, s18  }
.Ltmp0:
0x10: {  	(pc) =	sbr.rel @p0 .LBB2_2-.Ltmp0, $2  }
0x11: {  	_ =	sdelay $0x2  }
0x12: {  	s19 =	sshra.s32 s19, $0x2  }
0x13: {  	[tilespmem:s19+$0x2780] =	vst v0  }
0x14: {  	_ =	swait.ge [sflag:s10], $0x2710  }
0x15: {  	[sflag:s10] =	ssyncset.done $0x0  }
0x16: {  	s19 =	simm.s32 $0x0;
	s18 =	simm.s32 $0x40;
	[sflag:s10] =	ssyncadd.s32 $0xFFFFD8F0  }
.LBB2_4:
0x17: {  	p0 =	sne.s32 s18, $0x9C00;
	v2 =	vld [tilespmem:s19+$0x0];
	_ =	sdelay $0x3  }
.Ltmp1:
0x18: {  	(pc) =	sbr.rel @p0 .LBB2_4-.Ltmp1, $2  }
0x19: {  	_ =	sdelay $0x2  }
0x1a: {  	s19 =	sshra.s32 s18, $0x2;
	s18 =	sadd.s32 $0x40, s18;
	[tilespmem:v2+s11+$0x0] =	vst.idx.add.f32.msk $0xffff, v1  }
0x1b: {  	v2 =	vld [tilespmem:s19+$0x0];
	_ =	sdelay $0x7  }
0x1c: {  	[tilespmem:v2+s11+$0x0] =	vst.idx.add.f32.msk $0xffff, v1  }
0x1d: {  	[hbm4b:s3+s2] =	stream.linear.scatter [tilespmem:s11], [sflag:$0x2], $0x7D0, $0x38;
	[tilespmem:$0x4F00] =	vst v63  }
0x1e: {  	_ =	swait.ge [sflag:s12], $0x7D0  }
0x1f: {  	[sflag:s12] =	ssyncset.done $0x0  }
0x20: {  	[sflag:s12] =	ssyncadd.s32 $0xFFFFF830  }
0x21: {  	[hbm4b:s5+s2] =	stream.linear.scatter [tilespmem:s13], [sflag:$0x2], $0x7D0, $0x38;
	[tilespmem:$0x4F00] =	vst v63  }
0x22: {  	_ =	swait.ge [sflag:s12], $0x7D0  }
0x23: {  	[sflag:s12] =	ssyncset.done $0x0  }
0x24: {  	[sflag:s12] =	ssyncadd.s32 $0xFFFFF830  }
0x25: {  	[hbm4b:s6+s2] =	stream.linear.scatter [tilespmem:s14], [sflag:$0x2], $0x7D0, $0x38;
	[tilespmem:$0x4F00] =	vst v63  }
0x26: {  	_ =	swait.ge [sflag:s12], $0x7D0  }
0x27: {  	[sflag:s12] =	ssyncset.done $0x0  }
0x28: {  	[sflag:s12] =	ssyncadd.s32 $0xFFFFF830  }
0x29: {  	[hbm4b:s7+s2] =	stream.linear.scatter [tilespmem:s15], [sflag:$0x2], $0x7D0, $0x38;
	[tilespmem:$0x4F00] =	vst v63  }
0x2a: {  	s17 =	sadd.s32 $0x1, s17;
	_ =	swait.ge [sflag:s12], $0x7D0  }
0x2b: {  	p0 =	sne.s32 s17, s9;
	[sflag:s12] =	ssyncset.done $0x0  }
.Ltmp2:
0x2c: {  	[sflag:s12] =	ssyncadd.s32 $0xFFFFF830;
	(pc) =	sbr.rel @p0 .LBB2_1-.Ltmp2, $4  }
0x2d: {  	[hbm4b:s8+s2] =	stream.linear.scatter [tilespmem:s16], [sflag:$0x2], $0x7D0, $0x38;
	[tilespmem:$0x4F00] =	vst v63  }
0x2e: {  	_ =	swait.ge [sflag:s12], $0x7D0  }
0x2f: {  	[sflag:s12] =	ssyncset.done $0x0  }
0x30: {  	[sflag:s12] =	ssyncadd.s32 $0xFFFFF830  }
0x31: {  	_ =	sfence.sel $0x180000  }
0x32: {  	[bflag:$0x0] =	sbarrier.arrive $0xFFFF  }
0x33: {  	p0 =	sne.s32 s0, $0x0;
	_ =	strace $0x90000047  }
0x34: {  	s0 =	sadd.s32 @!p0 $0x100000, s1;
	[bflag:$0x2] =	sbarrier.arrive $0xFFFF  }
0x35: {  	[sflag:s0] =	ssyncadd.tile.s32 @!p0 $0x1;
	_ =	shalt  }
.Lfunc_end2:
_tile_overlayer_lowered:
.L_overlay_start_2:
0x36: {  	(tag) =	ssettag $0x2  }
0x37: {  	s0 =	rddreg [dreg:$0x0];
	s2 =	stileid.u32  }
0x38: {  	s1 =	rddreg [dreg:$0x1];
	p0 =	sne.s32 s2, $0x0  }
0x39: {  	s3 =	rddreg [dreg:$0x2];
	[bflag:$0x3] =	sbarrier.arrive $0xFFFF;
	s2 =	simm.s32 @!p0 $0x1C02  }
0x3a: {  	[timem:s3], [sflag:s2] =	dma.local @!p0 [hbm:s0], s1  }
0x3b: {  	s0 =	simm.s32 @!p0 $0x2  }
0x3c: {  	_ =	swait.ge @!p0 [sflag:s0], s1  }
0x3d: {  	s1 =	ssub.s32 @!p0 $0x0, s1;
	[sflag:s0] =	ssyncset.done @!p0 $0x0  }
0x3e: {  	[sflag:s0] =	ssyncadd.s32 @!p0 s1  }
0x3f: {  	[bflag:$0x3] =	sbarrier.arrive $0xFFFF  }
0x40: {  	_ =	shalt  }

// kernel: kernel.9.cloned.1.call-start
scs
__scs_entry_jumppad:
0x0: {  	(pc) =	sbr.rel $0x88, $3  }
0x1: {  	(tag) =	ssettag $0x0;
	lr =	simm.s32 $0x1  }
0x2: {  	[smem:$0x3F99] =	sst lr;
	_ =	strace $0xD0000000  }
0x3: {  	_ = 	snop  }
0x4: {  	_ = 	snop  }
0x5: {  	_ = 	snop  }
0x6: {  	_ = 	snop  }
0x7: {  	_ = 	snop  }
__scs_overlays_trampoline_lowered:
0x8: {  	[smem:$0x3FA8] =	sst s0  }
0x9: {  	[smem:$0x3FA9] =	sst s1  }
0xa: {  	[smem:$0x3FAA] =	sst s2  }
0xb: {  	[smem:$0x3FAB] =	sst s3  }
0xc: {  	[smem:$0x3FAC] =	sst s4  }
0xd: {  	[smem:$0x3FAD] =	sst s5  }
0xe: {  	[smem:$0x3FAE] =	sst s6  }
0xf: {  	[smem:$0x3FAF] =	sst s7  }
0x10: {  	[smem:$0x3FB0] =	sst s8  }
0x11: {  	[smem:$0x3FB1] =	sst s9;
	s0 =	simm.s32 @!p0 $0x0  }
0x12: {  	s1 =	sld [smem:$0x3F97];
	s0 =	simm.s32 @p0 $0x1  }
0x13: {  	[smem:$0x3FB2] =	sst s0;
	s0 =	simm.s32 @!p1 $0x0  }
0x14: {  	s2 =	sld [smem:$0x3F96];
	s0 =	simm.s32 @p1 $0x1  }
0x15: {  	[smem:$0x3FB3] =	sst s0;
	s0 =	simm.s32 @!p2 $0x0  }
0x16: {  	s3 =	sld [smem:$0x3FDB];
	s0 =	simm.s32 @p2 $0x1  }
0x17: {  	s4 =	simm.s32 $0x1BF5;
	[smem:$0x3FB5] =	sst s0  }
0x18: {  	s0 =	sld [smem:$0x3F98];
	_ =	swait.ge [sflag:s4], $0x0  }
0x19: {  	s7 =	sld [smem:$0x3F99]  }
0x1a: {  	s8 =	sadd.s32 $0xFFFFE003, lr  }
0x1b: {  	s9 =	sadd.s32 $0xFFFFFEF7, lr;
	s5 =	simm.s32 $0xFFFFFFFF;
	p2 =	slt.u32 s8, $0xFFFFF086  }
0x1c: {  	p1 =	slt.u32 s9, $0xF7A;
	s5 =	simm.s32 @!p2 $0x0  }
0x1d: {  	s5 =	simm.s32 @p1 $0x1;
	p0 =	seq.s32 s7, s2  }
0x1e: {  	s7 =	smul.u32 @!p0 $0xF7A, s2;
	p2 =	seq.s32 @!p0 s5, $0x0  }
0x1f: {  	s9 =	smul.u32 $0xF7A, s1;
	s8 =	simm.s32 @!p0 $0x1BF5;
	p2 =	por !p2, p0  }
0x20: {  	[sflag:s8] =	ssyncset.s32 @!p0 $0xFFFFF086;
	s6 =	sadd.s32 @!p0 s3, s7;
	s7 =	simm.s32 @!p0 $0x108  }
0x21: {  	s3 =	sadd.s32 s3, s9;
	s6 =	sadd.s32 @!p0 $0x88, s6;
	s7 =	simm.s32 @p2 $0x1082  }
0x22: {  	[simem:s7], [sflag:s8] =	dma.local @!p0 [hbm:s6], $0xF7A  }
0x23: {  	s9 =	sor.u32 $0xD0000000, s2;
	s6 =	simm.s32 $0x108;
	_ =	swait.ge @!p0 [sflag:s8], $0x0  }
0x24: {  	s3 =	sadd.s32 $0x88, s3;
	s6 =	simm.s32 @!p1 $0x1082;
	[sflag:s4] =	ssyncset.s32 $0xFFFFF086  }
0x25: {  	[simem:s6], [sflag:s4] =	dma.local [hbm:s3], $0xF7A  }
0x26: {  	[smem:$0x3F99] =	sst s1;
	(tag) =	ssettag s2;
	_ =	strace s9  }
0x27: {  	s1 =	sld [smem:$0x3FA9]  }
0x28: {  	s2 =	sld [smem:$0x3FAA]  }
0x29: {  	s4 =	sld [smem:$0x3FAC]  }
0x2a: {  	p0 =	seq.s32 s5, $0x0;
	s5 =	sld [smem:$0x3FAD]  }
0x2b: {  	s6 =	sld [smem:$0x3FAE]  }
0x2c: {  	s7 =	sld [smem:$0x3FAF]  }
0x2d: {  	s3 =	simm.s32 $0x108;
	s8 =	sld [smem:$0x3FB0]  }
0x2e: {  	s3 =	simm.s32 @!p0 $0x1082;
	s9 =	sld [smem:$0x3FB1]  }
0x2f: {  	lr =	sadd.s32 s0, s3;
	s0 =	sld [smem:$0x3FA8]  }
0x30: {  	s3 =	sld [smem:$0x3FAB]  }
0x31: {  	[smem:$0x3FB4] =	sst s10  }
0x32: {  	s10 =	sld [smem:$0x3FB2];
	_ =	sdelay $0x3  }
0x33: {  	p0 =	seq.s32 s10, $0x1;
	s10 =	sld [smem:$0x3FB4];
	_ =	sdelay $0x3  }
0x34: {  	[smem:$0x3FB4] =	sst s10  }
0x35: {  	s10 =	sld [smem:$0x3FB3];
	_ =	sdelay $0x3  }
0x36: {  	p1 =	seq.s32 s10, $0x1;
	s10 =	sld [smem:$0x3FB4];
	_ =	sdelay $0x3  }
0x37: {  	[smem:$0x3FB4] =	sst s10  }
0x38: {  	s10 =	sld [smem:$0x3FB5]  }
0x39: {  	_ = 	snop;
	(pc) =	sbr.ind lr, $3  }
0x3a: {  	_ = 	snop  }
0x3b: {  	_ = 	snop  }
0x3c: {  	p2 =	seq.s32 s10, $0x1;
	s10 =	sld [smem:$0x3FB4]  }
0x3d: {  	_ =	shalt  }
0x3e: {  	_ =	shalt  }
0x3f: {  	_ =	shalt  }
0x40: {  	_ =	shalt  }
0x41: {  	_ =	shalt  }
0x42: {  	_ =	shalt  }
0x43: {  	_ =	shalt  }
0x44: {  	_ =	shalt  }
0x45: {  	_ =	shalt  }
0x46: {  	_ =	shalt  }
0x47: {  	_ =	shalt  }
0x48: {  	_ =	shalt  }
0x49: {  	_ =	shalt  }
0x4a: {  	_ =	shalt  }
0x4b: {  	_ =	shalt  }
0x4c: {  	_ =	shalt  }
0x4d: {  	_ =	shalt  }
0x4e: {  	_ =	shalt  }
0x4f: {  	_ =	shalt  }
0x50: {  	_ =	shalt  }
0x51: {  	_ =	shalt  }
0x52: {  	_ =	shalt  }
0x53: {  	_ =	shalt  }
0x54: {  	_ =	shalt  }
0x55: {  	_ =	shalt  }
0x56: {  	_ =	shalt  }
0x57: {  	_ =	shalt  }
0x58: {  	_ =	shalt  }
0x59: {  	_ =	shalt  }
0x5a: {  	_ =	shalt  }
0x5b: {  	_ =	shalt  }
0x5c: {  	_ =	shalt  }
0x5d: {  	_ =	shalt  }
0x5e: {  	_ =	shalt  }
0x5f: {  	_ =	shalt  }
0x60: {  	_ =	shalt  }
0x61: {  	_ =	shalt  }
0x62: {  	_ =	shalt  }
0x63: {  	_ =	shalt  }
0x64: {  	_ =	shalt  }
0x65: {  	_ =	shalt  }
0x66: {  	_ =	shalt  }
0x67: {  	_ =	shalt  }
0x68: {  	_ =	shalt  }
0x69: {  	_ =	shalt  }
0x6a: {  	_ =	shalt  }
0x6b: {  	_ =	shalt  }
0x6c: {  	_ =	shalt  }
0x6d: {  	_ =	shalt  }
0x6e: {  	_ =	shalt  }
0x6f: {  	_ =	shalt  }
0x70: {  	_ =	shalt  }
0x71: {  	_ =	shalt  }
0x72: {  	_ =	shalt  }
0x73: {  	_ =	shalt  }
0x74: {  	_ =	shalt  }
0x75: {  	_ =	shalt  }
0x76: {  	_ =	shalt  }
0x77: {  	_ =	shalt  }
0x78: {  	_ =	shalt  }
0x79: {  	_ =	shalt  }
0x7a: {  	_ =	shalt  }
0x7b: {  	_ =	shalt  }
0x7c: {  	_ =	shalt  }
0x7d: {  	_ =	shalt  }
0x7e: {  	_ =	shalt  }
0x7f: {  	_ =	shalt  }
0x80: {  	_ =	shalt  }
0x81: {  	_ =	shalt  }
0x82: {  	_ =	shalt  }
0x83: {  	_ =	shalt  }
0x84: {  	_ =	shalt  }
0x85: {  	_ =	shalt  }
0x86: {  	_ =	shalt  }
0x87: {  	_ =	shalt  }
.Lfunc_end0:
.L_simem_size_0:
called_computation.1_lowered:
.L_overlay_start_0:
0x88: {  	s2 =	sld [smem:$0x3FD9]  }
0x89: {  	s3 =	sld [smem:$0x3FFE];
	_ =	sdelay $0x1  }
0x8a: {  	s1 =	srdreg.scid  }
0x8b: {  	s0 =	sand.u32 $0x1, s1  }
0x8c: {  	s17 =	sshll.u32 s0, $0xA;
	s2 =	sadd.s32 s3, s2  }
0x8d: {  	s2 =	sadd.s32 s2, s17  }
0x8e: {  	[smem:$0x3FC0] =	sst s2  }
0x8f: {  	_ = 	snop  }
0x90: {  	s2 =	sld [smem:$0x3FD0];
	(tm) =	ssettm $0x1  }
0x91: {  	s18 =	sld [smem:$0x3FFB];
	_ =	sdelay $0x3  }
0x92: {  	_ =	strace s18  }
0x93: {  	s3 =	sld [smem:$0x3FFC];
	_ =	sdelay $0x3  }
0x94: {  	_ =	strace s3  }
0x95: {  	s3 =	sld [smem:$0x3FFD];
	_ =	sdelay $0x3  }
0x96: {  	_ =	strace s3  }
0x97: {  	_ =	strace $0x8FFFFFFF  }
0x98: {  	s19 =	sld [smem:$0x3FDB];
	_ =	sdelay $0x1  }
0x99: {  	s4 =	simm.s32 $_scs_section_size  }
0x9a: {  	s5 =	simm.s32 $_size__tile_overlayer_lowered;
	s6 =	simm.s32 $_tile_overlayer_lowered  }
0x9b: {  	s22 =	simm.s32 $0x1BFF;
	s21 =	sshll.u32 s6, $0x1;
	s3 =	sadd.s32 s4, s19  }
0x9c: {  	s7 =	simm.s32 $0x0;
	s20 =	sshll.u32 s5, $0x1;
	s5 =	sadd.s32 s21, s3  }
0x9d: {  	[timem:s7], [sflag:s22] =	dma.local [hbm:s5], s20  }
0x9e: {  	_ =	swait.ge [sflag:s22], s20  }
0x9f: {  	s4 =	ssub.s32 $0x0, s20;
	[sflag:s22] =	ssyncset.done $0x0  }
0xa0: {  	[sflag:s22] =	ssyncadd.s32 s4;
	_ =	sdelay $0x1  }
0xa1: {  	s23 =	simm.s32 $0x1B8B  }
0xa2: {  	_ =	swait.ge [sflag:s23], $0x1  }
0xa3: {  	[sflag:s23] =	ssyncset.done $0x0  }
0xa4: {  	s25 =	simm.s32 $0x1B8E;
	s24 =	sld [smem:$0x3FFE];
	[sflag:s23] =	ssyncadd.s32 $0xFFFFFFFF  }
0xa5: {  	s26 =	simm.s32 $execute0_lowered;
	[smem:$0x3FD2] =	sst s25  }
0xa6: {  	s5 =	sshll.u32 s26, $0x1;
	_ =	strace $0x80000049;
	[dreg:$0x1] =	wrdreg $0xFFFFFFFF  }
0xa7: {  	s28 =	simm.s32 $_size_execute0_lowered;
	s3 =	sadd.s32 s3, s5;
	[dreg:$0x0] =	wrdreg $0x0  }
0xa8: {  	s5 =	sshll.u32 s28, $0x1;
	[dreg:$0x2] =	wrdreg s3  }
0xa9: {  	[dreg:$0x3] =	wrdreg s5  }
0xaa: {  	[dreg:$0x4] =	wrdreg $0xC0  }
0xab: {  	_ =	task [dreg:s7], $0x5FFFF  }
0xac: {  	[dreg:$0x1] =	wrdreg $0xFFFFFFFF  }
0xad: {  	[dreg:$0x0] =	wrdreg $0x60  }
0xae: {  	[dreg:$0x2] =	wrdreg s24  }
0xaf: {  	[dreg:$0x3] =	wrdreg s2  }
0xb0: {  	[dreg:$0x4] =	wrdreg $0xA8000  }
0xb1: {  	[dreg:$0x5] =	wrdreg $0x9  }
0xb2: {  	_ =	task.clear_ibuf [dreg:s7], $0x6FFFF;
	_ =	strace $0x90000049  }
0xb3: {  	s29 =	simm.s32 $0x9;
	_ =	strace $0x8000004B  }
0xb4: {  	_ =	swait.ge [sflag:s29], $0x1  }
0xb5: {  	[sflag:s29] =	ssyncadd.s32 $0xFFFFFFFF  }
0xb6: {  	_ =	strace $0x9000004B  }
0xb7: {  	_ =	sfence  }
0xb8: {  	s30 =	sld [smem:$0x0];
	_ =	sdelay $0x2  }
0xb9: {  	s31 =	sshll.u32 s1, $0xD;
	s1 =	sshrl.u32 s1, $0x2  }
0xba: {  	s3 =	sand.u32 $0x4000, s31;
	s1 =	sadd.s32 s1, s30  }
0xbb: {  	s0 =	sor.u32 s3, s0;
	s1 =	sshll.u32 s1, $0x11  }
0xbc: {  	s0 =	sor.u32 s1, s0  }
0xbd: {  	s0 =	sadd.s32 $0x8F2B, s0  }
0xbe: {  	[sflag:s0] =	ssyncadd.remote.s32 $0x1  }
0xbf: {  	_ =	sfence.sel $0xFFFF  }
0xc0: {  	[dreg:$0x0] =	wrdreg $0xFFFFFFFF;
	(pc) =	sbr.abs _section_cstart, $3  }
0xc1: {  	[dreg:$0x1] =	wrdreg $0xFFFFFFFF  }
0xc2: {  	_ =	task.clear_ibuf [dreg:s7], $0x2FFFF;
	_ =	strace $0x9FFFFFFF  }
0xc3: {  	(tm) =	ssettm $0x7FFFFFFF  }
tec
execute0_lowered:
.L_overlay_start_1:
0x0: {  	(tag) =	ssettag $0x1  }
0x1: {  	s0 =	rddreg [dreg:$0x0];
	s2 =	srdreg.scid  }
0x2: {  	s1 =	rddreg [dreg:$0x1];
	s11 =	stileid.u32  }
0x3: {  	s4 =	simm.s32 $0x0;
	s31 =	simm.s32 $0x400;
	s29 =	simm.s32 $0x50  }
0x4: {  	s3 =	sand.u32 $0x1, s2;
	s2 =	rddreg [dreg:$0x2];
	s6 =	smul.u32 $0x4E000, s11  }
0x5: {  	[smem:$0x7FF] =	sst s4;
	s12 =	sadd.s32 $0xC000, s0;
	s9 =	smul.u32 $0x13800, s11  }
0x6: {  	s13 =	sadd.s32 $0x2200, s0;
	s0 =	sadd.s32 $0x15E00, s0;
	s26 =	smul.u32 $0x2710, s11  }
0x7: {  	p0 =	sne.s32 s11, $0x0;
	s5 =	sshll.u32 s3, $0x4;
	_ =	strace $0x8000004A  }
0x8: {  	s7 =	ssub.s32 $0x2, s3;
	s22 =	smul.u32 $0x138800, s3;
	[dreg:$0x5] =	wrdreg s13  }
0x9: {  	s3 =	smul.u32 $0x27100, s3;
	[dreg:$0x4] =	wrdreg s12;
	s30 =	sadd.s32 $0x138000, s2  }
0xa: {  	s5 =	sor.u32 s11, s5;
	s8 =	sshrl.u32 s7, $0x1;
	s6 =	sshrl.u32 s6, $0x2  }
0xb: {  	s11 =	simm.s32 $0x200;
	s5 =	smul.u32 $0x2710, s5;
	s9 =	sadd.s32 s9, s22  }
0xc: {  	[smem:$0x7FD] =	sst s30;
	s28 =	sadd.s32 s6, s2;
	s9 =	sshrl.u32 s9, $0x3  }
0xd: {  	[dreg:$0x6] =	wrdreg s28;
	s5 =	sshrl.u32 s5, $0x3;
	s9 =	sadd.s32 s0, s9  }
0xe: {  	s15 =	sadd.s32 $0xA, s5;
	s16 =	sadd.s32 s12, s5;
	[dreg:$0x11] =	wrdreg s9  }
0xf: {  	s7 =	ssub.s32 s7, s8;
	[dreg:$0x7] =	wrdreg s16;
	s17 =	sadd.s32 s12, s15  }
0x10: {  	s18 =	sadd.s32 $0x14, s5;
	s6 =	sadd.s32 s13, s15;
	[dreg:$0x8] =	wrdreg s17  }
0x11: {  	s3 =	sadd.s32 s26, s3;
	s19 =	sadd.s32 s12, s18;
	[dreg:$0x9] =	wrdreg s6  }
0x12: {  	s20 =	sadd.s32 $0x1E, s5;
	s8 =	sadd.s32 s13, s18;
	[dreg:$0xa] =	wrdreg s19  }
0x13: {  	s23 =	sadd.s32 $0x28, s5;
	s21 =	sadd.s32 s12, s20;
	[dreg:$0xb] =	wrdreg s8  }
0x14: {  	s24 =	sadd.s32 $0x32, s5;
	s10 =	sadd.s32 s12, s23;
	[dreg:$0xc] =	wrdreg s21  }
0x15: {  	s9 =	sadd.s32 $0x3C, s5;
	s25 =	sadd.s32 s12, s24;
	[dreg:$0xe] =	wrdreg s10  }
0x16: {  	s14 =	sadd.s32 s12, s9;
	s15 =	sadd.s32 s13, s9;
	[dreg:$0x10] =	wrdreg s25  }
0x17: {  	s16 =	sadd.s32 s13, s5;
	s5 =	sadd.s32 $0x46, s5;
	[dreg:$0x13] =	wrdreg s14  }
0x18: {  	s18 =	sadd.s32 $0x4B0, s3;
	s6 =	sadd.s32 s13, s20;
	[dreg:$0x14] =	wrdreg s15  }
0x19: {  	s8 =	sshrl.u32 s22, $0x3;
	[dreg:$0x15] =	wrdreg s16;
	s17 =	sadd.s32 s12, s5  }
0x1a: {  	s5 =	sadd.s32 s13, s5;
	s19 =	sshrl.u32 s18, $0x3;
	[dreg:$0xd] =	wrdreg s6  }
0x1b: {  	s20 =	sadd.s32 $0x460, s3;
	s21 =	smax.u32 s7, $0x1;
	[dreg:$0x16] =	wrdreg s17  }
0x1c: {  	s25 =	sadd.s32 $0x3C0, s3;
	s7 =	sadd.s32 $0x370, s3;
	[dreg:$0x17] =	wrdreg s5  }
0x1d: {  	s14 =	sadd.s32 $0x320, s3;
	s6 =	sadd.s32 s13, s23;
	[dreg:$0x19] =	wrdreg s21  }
0x1e: {  	s16 =	sadd.s32 $0x2D0, s3;
	s22 =	sadd.s32 s19, s13;
	[dreg:$0xf] =	wrdreg s6  }
0x1f: {  	s5 =	sshrl.u32 s20, $0x3;
	s20 =	sadd.s32 $0x2800, s28;
	[dreg:$0x1a] =	wrdreg s22  }
0x20: {  	s0 =	sadd.s32 s0, s8;
	s21 =	sadd.s32 $0x5000, s28;
	[smem:$0x7F6] =	sst s20  }
0x21: {  	s8 =	sshrl.u32 s7, $0x3;
	s6 =	sadd.s32 s13, s24;
	[smem:$0x7F7] =	sst s21  }
0x22: {  	s15 =	sshrl.u32 s14, $0x3;
	s0 =	sadd.s32 $0x27000, s0;
	[dreg:$0x12] =	wrdreg s6  }
0x23: {  	s18 =	sshrl.u32 s16, $0x3;
	s23 =	sadd.s32 s5, s13;
	[dreg:$0x18] =	wrdreg s0  }
0x24: {  	s16 =	simm.s32 $0x180;
	s5 =	sadd.s32 s5, s12;
	[dreg:$0x1c] =	wrdreg s23  }
0x25: {  	s14 =	simm.s32 $0x12;
	s10 =	sadd.s32 s8, s13;
	[dreg:$0x1d] =	wrdreg s5  }
0x26: {  	s24 =	sadd.s32 $0x410, s3;
	s17 =	sadd.s32 s15, s13;
	[smem:$0x7EF] =	sst s10  }
0x27: {  	s22 =	sadd.s32 $0x7800, s28;
	s20 =	simm.s32 $0x580;
	[smem:$0x7F1] =	sst s17  }
0x28: {  	s21 =	simm.s32 $0x380;
	s0 =	sadd.s32 s19, s12;
	[smem:$0x7F8] =	sst s22  }
0x29: {  	s5 =	sshrl.u32 s25, $0x3;
	s19 =	sadd.s32 $0x280, s3;
	[dreg:$0x1b] =	wrdreg s0  }
0x2a: {  	s23 =	sadd.s32 $0xA000, s28;
	s25 =	sadd.s32 $0xF000, s28;
	[smem:$0x7F5] =	sst s19  }
0x2b: {  	s3 =	simm.s32 $0x480;
	s10 =	simm.s32 $0x11;
	[smem:$0x7F9] =	sst s23  }
0x2c: {  	s17 =	simm.s32 $0xD;
	s9 =	sadd.s32 s5, s13;
	[smem:$0x7FB] =	sst s25  }
0x2d: {  	s0 =	sshrl.u32 s24, $0x3;
	s5 =	sadd.s32 s5, s12;
	[smem:$0x7ED] =	sst s9  }
0x2e: {  	s24 =	sadd.s32 $0xC800, s28;
	s25 =	simm.s32 $0x800;
	[smem:$0x7EE] =	sst s5  }
0x2f: {  	s19 =	simm.s32 $0x14;
	s26 =	sadd.s32 s0, s13;
	[smem:$0x7FA] =	sst s24  }
0x30: {  	s0 =	sadd.s32 s0, s12;
	s5 =	sadd.s32 s18, s13;
	[dreg:$0x1e] =	wrdreg s26  }
0x31: {  	s9 =	simm.s32 $0x5800;
	s13 =	simm.s32 $0x8000;
	[dreg:$0x1f] =	wrdreg s0  }
0x32: {  	s24 =	simm.s32 $0x13;
	s0 =	sadd.s32 s8, s12;
	[smem:$0x7F3] =	sst s5  }
.Ltmp0:
0x33: {  	s26 =	sadd.s32 $0x11800, s28;
	s8 =	simm.s32 $0x500;
	(pc) =	sbr.rel .LBB2_1-.Ltmp0, $4  }
0x34: {  	s5 =	simm.s32 $0x0;
	[smem:$0x7F0] =	sst s0;
	s0 =	sadd.s32 s15, s12  }
0x35: {  	[smem:$0x7FC] =	sst s26;
	s26 =	simm.s32 $0x15;
	s15 =	simm.s32 $0x5  }
0x36: {  	[smem:$0x7F2] =	sst s0;
	s0 =	sadd.s32 s18, s12;
	s12 =	simm.s32 $0x600  }
0x37: {  	v0 =	vimm.f32 $0.0e+00;
	s18 =	simm.s32 $0x780;
	[smem:$0x7F4] =	sst s0;
	s0 =	simm.s32 $0x3000  }
.LBB2_6:
0x38: {  	_ =	swait.ge [sflag:s10], $0x2800  }
0x39: {  	[sflag:s10] =	ssyncset.done $0x0  }
0x3a: {  	s5 =	simm.s32 $0x4;
	[sflag:s10] =	ssyncadd.s32 $0xFFFFD800  }
0x3b: {  	_ =	swait.ge [sflag:s5], $0x50  }
0x3c: {  	[sflag:s5] =	ssyncset.done $0x0  }
0x3d: {  	s7 =	simm.s32 $0xC;
	[sflag:s5] =	ssyncadd.s32 $0xFFFFFFB0  }
0x3e: {  	_ =	swait.ge [sflag:s7], $0x50  }
0x3f: {  	[sflag:s7] =	ssyncset.done $0x0  }
0x40: {  	[sflag:s7] =	ssyncadd.s32 $0xFFFFFFB0  }
0x41: {  	[tilespmem:s13], [sflag:$0x14] =	stream.indirect.gather [hbm4b:s1+s29], $0x80, s16, s29, $0xb8;
	[tilespmem:$0x1E080] =	vst v63  }
0x42: {  	_ = 	snop  }
0x43: {  	[spmem:s2] =	stream.indirect.scatter.add.f32 [tilespmem:s25], [sflag:$0x15], $0x80, s31, s29, $0xb8;
	[tilespmem:$0x1E080] =	vst v63  }
0x44: {  	_ =	swait.ge [sflag:s26], $0x2800  }
0x45: {  	[sflag:s26] =	ssyncset.done $0x0  }
0x46: {  	[sflag:s26] =	ssyncadd.s32 $0xFFFFD800  }
0x47: {  	_ =	swait.ge [sflag:s14], $0x2800  }
0x48: {  	[sflag:s14] =	ssyncset.done $0x0  }
0x49: {  	[sflag:s14] =	ssyncadd.s32 $0xFFFFD800  }
0x4a: {  	_ =	swait.ge [sflag:s15], $0x50  }
0x4b: {  	[sflag:s15] =	ssyncset.done $0x0  }
0x4c: {  	[sflag:s15] =	ssyncadd.s32 $0xFFFFFFB0  }
0x4d: {  	_ =	swait.ge [sflag:s17], $0x50  }
0x4e: {  	[sflag:s17] =	ssyncset.done $0x0  }
0x4f: {  	[sflag:s17] =	ssyncadd.s32 $0xFFFFFFB0  }
0x50: {  	[tilespmem:s25], [sflag:$0x11] =	stream.indirect.gather [hbm4b:s1+s29], $0x80, s11, s29, $0xb8;
	[tilespmem:$0x1E080] =	vst v63  }
0x51: {  	_ = 	snop  }
0x52: {  	[spmem:s2] =	stream.indirect.scatter.add.f32 [tilespmem:s0], [sflag:$0x15], $0x80, s3, s29, $0xb8;
	[tilespmem:$0x1E080] =	vst v63  }
0x53: {  	_ =	swait.ge [sflag:s26], $0x2800  }
0x54: {  	[sflag:s26] =	ssyncset.done $0x0  }
0x55: {  	[sflag:s26] =	ssyncadd.s32 $0xFFFFD800  }
0x56: {  	_ =	swait.ge [sflag:s24], $0x2800  }
0x57: {  	[sflag:s24] =	ssyncset.done $0x0  }
0x58: {  	[sflag:s24] =	ssyncadd.s32 $0xFFFFD800  }
0x59: {  	[spmem:s2] =	stream.indirect.scatter.add.f32 [tilespmem:s9], [sflag:$0x15], $0x80, s8, s29, $0xb8;
	[tilespmem:$0x1E080] =	vst v63  }
0x5a: {  	_ =	swait.ge [sflag:s26], $0x2800  }
0x5b: {  	[sflag:s26] =	ssyncset.done $0x0  }
0x5c: {  	[sflag:s26] =	ssyncadd.s32 $0xFFFFD800  }
0x5d: {  	_ =	swait.ge [sflag:s19], $0x2800  }
0x5e: {  	[sflag:s19] =	ssyncset.done $0x0  }
0x5f: {  	[sflag:s19] =	ssyncadd.s32 $0xFFFFD800  }
0x60: {  	[spmem:s2] =	stream.indirect.scatter.add.f32 [tilespmem:s13], [sflag:$0x15], $0x80, s20, s29, $0xb8;
	[tilespmem:$0x1E080] =	vst v63  }
0x61: {  	_ =	swait.ge [sflag:s26], $0x2800  }
0x62: {  	[sflag:s26] =	ssyncset.done $0x0  }
0x63: {  	[sflag:s26] =	ssyncadd.s32 $0xFFFFD800  }
0x64: {  	_ =	swait.ge [sflag:s10], $0x2800  }
0x65: {  	[sflag:s10] =	ssyncset.done $0x0  }
0x66: {  	[sflag:s10] =	ssyncadd.s32 $0xFFFFD800  }
0x67: {  	[spmem:s2] =	stream.indirect.scatter.add.f32 [tilespmem:s25], [sflag:$0x15], $0x80, s12, s29, $0xb8;
	[tilespmem:$0x1E080] =	vst v63  }
0x68: {  	_ =	swait.ge [sflag:s26], $0x2800  }
0x69: {  	[sflag:s26] =	ssyncset.done $0x0  }
0x6a: {  	[sflag:s26] =	ssyncadd.s32 $0xFFFFD800  }
0x6b: {  	s6 =	stileid.u32;
	[bflag:$0x0] =	sbarrier.arrive $0xFFFF  }
0x6c: {  	s6 =	sshll.u32 s6, $0x6;
	s28 =	rddreg [dreg:$0x6]  }
0x6d: {  	s6 =	sor.u32 $0x1C15, s6;
	s23 =	rddreg [dreg:$0x11];
	s7 =	sshrl.u32 s28, $0x3  }
0x6e: {  	[hbm:s23], [sflag:s6] =	dma.local [spmem:s7], $0x2700  }
0x6f: {  	_ =	swait.ge [sflag:s26], $0x2700  }
0x70: {  	s30 =	sld [smem:$0x7FD];
	_ =	sdelay $0x1  }
0x71: {  	[sflag:s26] =	ssyncset.done $0x0  }
0x72: {  	s23 =	rddreg [dreg:$0x18];
	[sflag:s26] =	ssyncadd.s32 $0xFFFFD900;
	s7 =	sshrl.u32 @!p0 s30, $0x3  }
0x73: {  	[hbm:s23], [sflag:s6] =	dma.local @!p0 [spmem:s7], $0x100  }
0x74: {  	s6 =	simm.s32 @!p0 $0x15  }
0x75: {  	_ =	swait.ge @!p0 [sflag:s6], $0x100  }
0x76: {  	s22 =	sld [smem:$0x7EC];
	_ =	sdelay $0x2  }
0x77: {  	s23 =	rddreg [dreg:$0x19];
	s5 =	sadd.s32 $0x1, s22  }
0x78: {  	p1 =	sne.s32 s5, s23  }
.Ltmp1:
0x79: {  	_ = 	snop;
	(pc) =	sbr.rel @!p1 .LBB2_7-.Ltmp1, $3  }
0x7a: {  	_ =	sdelay $0x1  }
0x7b: {  	[sflag:s6] =	ssyncset.done @!p0 $0x0  }
0x7c: {  	[sflag:s6] =	ssyncadd.s32 @!p0 $0xFFFFFF00  }
.LBB2_1:
0x7d: {  	[smem:$0x7EC] =	sst s5;
	s7 =	simm.s32 $0x0;
	s23 =	simm.s32 $0x200  }
.LBB2_2:
0x7e: {  	p1 =	sne.s32 s23, $0x9E00;
	[tilespmem:s7+$0x870] =	vst v0  }
0x7f: {  	[tilespmem:s7+$0x800] =	vst v0  }
0x80: {  	[tilespmem:s7+$0x810] =	vst v0  }
.Ltmp2:
0x81: {  	[tilespmem:s7+$0x820] =	vst v0;
	(pc) =	sbr.rel @p1 .LBB2_2-.Ltmp2, $4  }
0x82: {  	[tilespmem:s7+$0x830] =	vst v0  }
0x83: {  	[tilespmem:s7+$0x840] =	vst v0  }
0x84: {  	[tilespmem:s7+$0x850] =	vst v0  }
0x85: {  	[tilespmem:s7+$0x860] =	vst v0;
	s7 =	sshra.s32 s23, $0x2;
	s23 =	sadd.s32 $0x200, s23  }
0x86: {  	[tilespmem:s7+$0x870] =	vst v0  }
0x87: {  	[tilespmem:s7+$0x800] =	vst v0  }
0x88: {  	[tilespmem:s7+$0x810] =	vst v0  }
0x89: {  	[tilespmem:s7+$0x820] =	vst v0  }
0x8a: {  	[tilespmem:s7+$0x830] =	vst v0  }
0x8b: {  	[tilespmem:s7+$0x840] =	vst v0  }
0x8c: {  	[tilespmem:s7+$0x850] =	vst v0  }
0x8d: {  	[tilespmem:s7+$0x860] =	vst v0  }
0x8e: {  	[spmem:s28] =	stream.linear.scatter [tilespmem:s25], [sflag:$0x15], $0x2800, $0x38;
	[tilespmem:$0x1E080] =	vst v63  }
0x8f: {  	_ =	swait.ge [sflag:s26], $0x2800  }
0x90: {  	s6 =	sld [smem:$0x7F6]  }
0x91: {  	[sflag:s26] =	ssyncset.done $0x0  }
0x92: {  	[sflag:s26] =	ssyncadd.s32 $0xFFFFD800  }
0x93: {  	[spmem:s6] =	stream.linear.scatter [tilespmem:s25], [sflag:$0x15], $0x2800, $0x38;
	[tilespmem:$0x1E080] =	vst v63  }
0x94: {  	_ =	swait.ge [sflag:s26], $0x2800  }
0x95: {  	s23 =	sld [smem:$0x7F7]  }
0x96: {  	[sflag:s26] =	ssyncset.done $0x0  }
0x97: {  	[sflag:s26] =	ssyncadd.s32 $0xFFFFD800  }
0x98: {  	[spmem:s23] =	stream.linear.scatter [tilespmem:s25], [sflag:$0x15], $0x2800, $0x38;
	[tilespmem:$0x1E080] =	vst v63  }
0x99: {  	_ =	swait.ge [sflag:s26], $0x2800  }
0x9a: {  	s28 =	sld [smem:$0x7F8]  }
0x9b: {  	[sflag:s26] =	ssyncset.done $0x0  }
0x9c: {  	[sflag:s26] =	ssyncadd.s32 $0xFFFFD800  }
0x9d: {  	[spmem:s28] =	stream.linear.scatter [tilespmem:s25], [sflag:$0x15], $0x2800, $0x38;
	[tilespmem:$0x1E080] =	vst v63  }
0x9e: {  	_ =	swait.ge [sflag:s26], $0x2800  }
0x9f: {  	s5 =	sld [smem:$0x7F9]  }
0xa0: {  	[sflag:s26] =	ssyncset.done $0x0  }
0xa1: {  	[sflag:s26] =	ssyncadd.s32 $0xFFFFD800  }
0xa2: {  	[spmem:s5] =	stream.linear.scatter [tilespmem:s25], [sflag:$0x15], $0x2800, $0x38;
	[tilespmem:$0x1E080] =	vst v63  }
0xa3: {  	_ =	swait.ge [sflag:s26], $0x2800  }
0xa4: {  	s7 =	sld [smem:$0x7FA]  }
0xa5: {  	[sflag:s26] =	ssyncset.done $0x0  }
0xa6: {  	[sflag:s26] =	ssyncadd.s32 $0xFFFFD800  }
0xa7: {  	[spmem:s7] =	stream.linear.scatter [tilespmem:s25], [sflag:$0x15], $0x2800, $0x38;
	[tilespmem:$0x1E080] =	vst v63  }
0xa8: {  	_ =	swait.ge [sflag:s26], $0x2800  }
0xa9: {  	s22 =	sld [smem:$0x7FB]  }
0xaa: {  	[sflag:s26] =	ssyncset.done $0x0  }
0xab: {  	[sflag:s26] =	ssyncadd.s32 $0xFFFFD800  }
0xac: {  	[spmem:s22] =	stream.linear.scatter [tilespmem:s25], [sflag:$0x15], $0x2800, $0x38;
	[tilespmem:$0x1E080] =	vst v63  }
0xad: {  	_ =	swait.ge [sflag:s26], $0x2800  }
0xae: {  	s23 =	sld [smem:$0x7FC]  }
0xaf: {  	[sflag:s26] =	ssyncset.done $0x0  }
0xb0: {  	[sflag:s26] =	ssyncadd.s32 $0xFFFFD800  }
0xb1: {  	[spmem:s23] =	stream.linear.scatter [tilespmem:s25], [sflag:$0x15], $0x2000, $0x38;
	[tilespmem:$0x1E080] =	vst v63  }
0xb2: {  	_ =	swait.ge [sflag:s26], $0x2000  }
0xb3: {  	[sflag:s26] =	ssyncset.done $0x0  }
0xb4: {  	s7 =	simm.s32 @!p0 $0x800;
	[sflag:s26] =	ssyncadd.s32 $0xFFFFE000  }
0xb5: {  	[spmem:s30] =	stream.linear.scatter @!p0 [tilespmem:s7], [sflag:$0x15], $0x800, $0x38;
	[tilespmem:$0x1E080] =	vst v63  }
0xb6: {  	s7 =	simm.s32 @!p0 $0x15  }
0xb7: {  	_ =	swait.ge @!p0 [sflag:s7], $0x800  }
0xb8: {  	[sflag:s7] =	ssyncset.done @!p0 $0x0  }
0xb9: {  	s23 =	simm.s32 $0x0;
	s28 =	rddreg [dreg:$0x7];
	[sflag:s7] =	ssyncadd.s32 @!p0 $0xFFFFF800  }
0xba: {  	[tilespmem:s23], [sflag:$0x1] =	stream.linear.gather [hbm4b:s28+s23], $0x50, $0x38;
	[tilespmem:$0x1E080] =	vst v63  }
0xbb: {  	s30 =	rddreg [dreg:$0x15]  }
0xbc: {  	[tilespmem:s31], [sflag:$0x9] =	stream.linear.gather [hbm4b:s30+s23], $0x50, $0x38;
	[tilespmem:$0x1E080] =	vst v63  }
0xbd: {  	s5 =	rddreg [dreg:$0x8];
	s7 =	simm.s32 $0x80  }
0xbe: {  	[tilespmem:s7], [sflag:$0x2] =	stream.linear.gather [hbm4b:s5+s23], $0x50, $0x38;
	[tilespmem:$0x1E080] =	vst v63  }
0xbf: {  	s22 =	rddreg [dreg:$0x9]  }
0xc0: {  	[tilespmem:s3], [sflag:$0xA] =	stream.linear.gather [hbm4b:s22+s23], $0x50, $0x38;
	[tilespmem:$0x1E080] =	vst v63  }
0xc1: {  	s28 =	rddreg [dreg:$0xa];
	s3 =	simm.s32 $0x100  }
0xc2: {  	[tilespmem:s3], [sflag:$0x3] =	stream.linear.gather [hbm4b:s28+s23], $0x50, $0x38;
	[tilespmem:$0x1E080] =	vst v63  }
0xc3: {  	s30 =	rddreg [dreg:$0xb]  }
0xc4: {  	[tilespmem:s8], [sflag:$0xB] =	stream.linear.gather [hbm4b:s30+s23], $0x50, $0x38;
	[tilespmem:$0x1E080] =	vst v63  }
0xc5: {  	s31 =	rddreg [dreg:$0xc]  }
0xc6: {  	[tilespmem:s16], [sflag:$0x4] =	stream.linear.gather [hbm4b:s31+s23], $0x50, $0x38;
	[tilespmem:$0x1E080] =	vst v63  }
0xc7: {  	s5 =	rddreg [dreg:$0xd]  }
0xc8: {  	[tilespmem:s20], [sflag:$0xC] =	stream.linear.gather [hbm4b:s5+s23], $0x50, $0x38;
	[tilespmem:$0x1E080] =	vst v63  }
0xc9: {  	s8 =	rddreg [dreg:$0xe]  }
0xca: {  	[tilespmem:s11], [sflag:$0x5] =	stream.linear.gather [hbm4b:s8+s23], $0x50, $0x38;
	[tilespmem:$0x1E080] =	vst v63  }
0xcb: {  	s16 =	rddreg [dreg:$0xf]  }
0xcc: {  	[tilespmem:s12], [sflag:$0xD] =	stream.linear.gather [hbm4b:s16+s23], $0x50, $0x38;
	[tilespmem:$0x1E080] =	vst v63  }
0xcd: {  	s20 =	rddreg [dreg:$0x10];
	s5 =	simm.s32 $0x280  }
0xce: {  	[tilespmem:s5], [sflag:$0x6] =	stream.linear.gather [hbm4b:s20+s23], $0x50, $0x38;
	[tilespmem:$0x1E080] =	vst v63  }
0xcf: {  	s22 =	rddreg [dreg:$0x12];
	s28 =	simm.s32 $0x680  }
0xd0: {  	[tilespmem:s28], [sflag:$0xE] =	stream.linear.gather [hbm4b:s22+s23], $0x50, $0x38;
	[tilespmem:$0x1E080] =	vst v63  }
0xd1: {  	s30 =	rddreg [dreg:$0x13];
	s31 =	simm.s32 $0x300  }
0xd2: {  	[tilespmem:s31], [sflag:$0x7] =	stream.linear.gather [hbm4b:s30+s23], $0x50, $0x38;
	[tilespmem:$0x1E080] =	vst v63  }
0xd3: {  	s8 =	rddreg [dreg:$0x14];
	s11 =	simm.s32 $0x700  }
0xd4: {  	[tilespmem:s11], [sflag:$0xF] =	stream.linear.gather [hbm4b:s8+s23], $0x50, $0x38;
	[tilespmem:$0x1E080] =	vst v63  }
0xd5: {  	s12 =	rddreg [dreg:$0x16];
	s11 =	simm.s32 $0x380  }
0xd6: {  	[tilespmem:s11], [sflag:$0x8] =	stream.linear.gather [hbm4b:s12+s23], $0x50, $0x38;
	[tilespmem:$0x1E080] =	vst v63  }
0xd7: {  	s16 =	rddreg [dreg:$0x17]  }
0xd8: {  	[tilespmem:s18], [sflag:$0x10] =	stream.linear.gather [hbm4b:s16+s23], $0x50, $0x38;
	[tilespmem:$0x1E080] =	vst v63  }
0xd9: {  	s18 =	simm.s32 $0x1;
	[bflag:$0x0] =	sbarrier.arrive $0xFFFF  }
0xda: {  	_ =	swait.ge [sflag:s18], $0x50  }
0xdb: {  	[sflag:s18] =	ssyncset.done $0x0  }
0xdc: {  	s20 =	simm.s32 $0x9;
	[sflag:s18] =	ssyncadd.s32 $0xFFFFFFB0  }
0xdd: {  	_ =	swait.ge [sflag:s20], $0x50  }
0xde: {  	[sflag:s20] =	ssyncset.done $0x0  }
0xdf: {  	s22 =	simm.s32 $0x2;
	[sflag:s20] =	ssyncadd.s32 $0xFFFFFFB0  }
0xe0: {  	[tilespmem:s25], [sflag:$0x11] =	stream.indirect.gather [hbm4b:s1+s29], $0x80, s23, s29, $0xb8;
	[tilespmem:$0x1E080] =	vst v63  }
0xe1: {  	_ =	swait.ge [sflag:s22], $0x50  }
0xe2: {  	[sflag:s22] =	ssyncset.done $0x0  }
0xe3: {  	s28 =	simm.s32 $0xA;
	[sflag:s22] =	ssyncadd.s32 $0xFFFFFFB0  }
0xe4: {  	_ =	swait.ge [sflag:s28], $0x50  }
0xe5: {  	[sflag:s28] =	ssyncset.done $0x0  }
0xe6: {  	s30 =	simm.s32 $0x3;
	[sflag:s28] =	ssyncadd.s32 $0xFFFFFFB0  }
0xe7: {  	[tilespmem:s0], [sflag:$0x12] =	stream.indirect.gather [hbm4b:s1+s29], $0x80, s7, s29, $0xb8;
	[tilespmem:$0x1E080] =	vst v63  }
0xe8: {  	_ =	swait.ge [sflag:s30], $0x50  }
0xe9: {  	[sflag:s30] =	ssyncset.done $0x0  }
0xea: {  	s31 =	simm.s32 $0xB;
	[sflag:s30] =	ssyncadd.s32 $0xFFFFFFB0  }
0xeb: {  	_ =	swait.ge [sflag:s31], $0x50  }
0xec: {  	[sflag:s31] =	ssyncset.done $0x0  }
0xed: {  	s22 =	simm.s32 $0x780;
	s7 =	sld [smem:$0x7F5];
	[sflag:s31] =	ssyncadd.s32 $0xFFFFFFB0  }
0xee: {  	[tilespmem:s9], [sflag:$0x13] =	stream.indirect.gather [hbm4b:s1+s29], $0x80, s3, s29, $0xb8;
	[tilespmem:$0x1E080] =	vst v63  }
.LBB2_4:
0xef: {  	_ =	swait.ge [sflag:s10], $0x2800  }
0xf0: {  	[sflag:s10] =	ssyncset.done $0x0  }
0xf1: {  	s3 =	simm.s32 $0x4;
	[sflag:s10] =	ssyncadd.s32 $0xFFFFD800  }
0xf2: {  	_ =	swait.ge [sflag:s3], $0x50  }
0xf3: {  	[sflag:s3] =	ssyncset.done $0x0  }
0xf4: {  	s8 =	simm.s32 $0xC;
	[sflag:s3] =	ssyncadd.s32 $0xFFFFFFB0  }
0xf5: {  	_ =	swait.ge [sflag:s8], $0x50  }
0xf6: {  	[sflag:s8] =	ssyncset.done $0x0  }
0xf7: {  	s20 =	simm.s32 $0x180;
	[sflag:s8] =	ssyncadd.s32 $0xFFFFFFB0  }
0xf8: {  	[tilespmem:s13], [sflag:$0x14] =	stream.indirect.gather [hbm4b:s1+s29], $0x80, s20, s29, $0xb8;
	[tilespmem:$0x1E080] =	vst v63  }
0xf9: {  	s30 =	simm.s32 $0x400  }
0xfa: {  	[spmem:s2] =	stream.indirect.scatter.add.f32 [tilespmem:s25], [sflag:$0x15], $0x80, s30, s29, $0xb8;
	[tilespmem:$0x1E080] =	vst v63  }
0xfb: {  	_ =	swait.ge [sflag:s26], $0x2800  }
0xfc: {  	s6 =	sshrl.u32 s7, $0x3;
	[sflag:s26] =	ssyncset.done $0x0;
	s28 =	rddreg [dreg:$0x4]  }
0xfd: {  	s12 =	rddreg [dreg:$0x5];
	[sflag:s26] =	ssyncadd.s32 $0xFFFFD800;
	s28 =	sadd.s32 s28, s6  }
0xfe: {  	[tilespmem:s4], [sflag:$0x1] =	stream.linear.gather [hbm4b:s28+s4], $0x50, $0x38;
	[tilespmem:$0x1E080] =	vst v63  }
0xff: {  	s6 =	sadd.s32 s12, s6  }
0x100: {  	[tilespmem:s30], [sflag:$0x9] =	stream.linear.gather [hbm4b:s6+s4], $0x50, $0x38;
	[tilespmem:$0x1E080] =	vst v63  }
0x101: {  	_ =	swait.ge [sflag:s14], $0x2800  }
0x102: {  	[sflag:s14] =	ssyncset.done $0x0  }
0x103: {  	[sflag:s14] =	ssyncadd.s32 $0xFFFFD800  }
0x104: {  	_ =	swait.ge [sflag:s15], $0x50  }
0x105: {  	[sflag:s15] =	ssyncset.done $0x0  }
0x106: {  	[sflag:s15] =	ssyncadd.s32 $0xFFFFFFB0  }
0x107: {  	_ =	swait.ge [sflag:s17], $0x50  }
0x108: {  	[sflag:s17] =	ssyncset.done $0x0  }
0x109: {  	s30 =	simm.s32 $0x200;
	[sflag:s17] =	ssyncadd.s32 $0xFFFFFFB0  }
0x10a: {  	[tilespmem:s25], [sflag:$0x11] =	stream.indirect.gather [hbm4b:s1+s29], $0x80, s30, s29, $0xb8;
	[tilespmem:$0x1E080] =	vst v63  }
0x10b: {  	s16 =	simm.s32 $0x480  }
0x10c: {  	[spmem:s2] =	stream.indirect.scatter.add.f32 [tilespmem:s0], [sflag:$0x15], $0x80, s16, s29, $0xb8;
	[tilespmem:$0x1E080] =	vst v63  }
0x10d: {  	_ =	swait.ge [sflag:s26], $0x2800  }
0x10e: {  	s3 =	sld [smem:$0x7F4];
	_ =	sdelay $0x1  }
0x10f: {  	[sflag:s26] =	ssyncset.done $0x0;
	s5 =	sld [smem:$0x7F3]  }
0x110: {  	s18 =	simm.s32 $0x80;
	[sflag:s26] =	ssyncadd.s32 $0xFFFFD800;
	s6 =	sadd.s32 s23, s3  }
0x111: {  	[tilespmem:s18], [sflag:$0x2] =	stream.linear.gather [hbm4b:s6+s4], $0x50, $0x38;
	[tilespmem:$0x1E080] =	vst v63  }
0x112: {  	s6 =	sadd.s32 s23, s5  }
0x113: {  	[tilespmem:s16], [sflag:$0xA] =	stream.linear.gather [hbm4b:s6+s4], $0x50, $0x38;
	[tilespmem:$0x1E080] =	vst v63  }
0x114: {  	_ =	swait.ge [sflag:s24], $0x2800  }
0x115: {  	[sflag:s24] =	ssyncset.done $0x0  }
0x116: {  	s5 =	simm.s32 $0x6;
	[sflag:s24] =	ssyncadd.s32 $0xFFFFD800  }
0x117: {  	_ =	swait.ge [sflag:s5], $0x50  }
0x118: {  	[sflag:s5] =	ssyncset.done $0x0  }
0x119: {  	s8 =	simm.s32 $0xE;
	[sflag:s5] =	ssyncadd.s32 $0xFFFFFFB0  }
0x11a: {  	_ =	swait.ge [sflag:s8], $0x50  }
0x11b: {  	[sflag:s8] =	ssyncset.done $0x0  }
0x11c: {  	s12 =	simm.s32 $0x280;
	[sflag:s8] =	ssyncadd.s32 $0xFFFFFFB0  }
0x11d: {  	[tilespmem:s0], [sflag:$0x12] =	stream.indirect.gather [hbm4b:s1+s29], $0x80, s12, s29, $0xb8;
	[tilespmem:$0x1E080] =	vst v63  }
0x11e: {  	s16 =	simm.s32 $0x500  }
0x11f: {  	[spmem:s2] =	stream.indirect.scatter.add.f32 [tilespmem:s9], [sflag:$0x15], $0x80, s16, s29, $0xb8;
	[tilespmem:$0x1E080] =	vst v63  }
0x120: {  	_ =	swait.ge [sflag:s26], $0x2800  }
0x121: {  	s5 =	sld [smem:$0x7F2];
	_ =	sdelay $0x1  }
0x122: {  	[sflag:s26] =	ssyncset.done $0x0;
	s8 =	sld [smem:$0x7F1]  }
0x123: {  	[sflag:s26] =	ssyncadd.s32 $0xFFFFD800;
	s6 =	sadd.s32 s23, s5;
	s5 =	simm.s32 $0x100  }
0x124: {  	[tilespmem:s5], [sflag:$0x3] =	stream.linear.gather [hbm4b:s6+s4], $0x50, $0x38;
	[tilespmem:$0x1E080] =	vst v63  }
0x125: {  	s6 =	sadd.s32 s23, s8  }
0x126: {  	[tilespmem:s16], [sflag:$0xB] =	stream.linear.gather [hbm4b:s6+s4], $0x50, $0x38;
	[tilespmem:$0x1E080] =	vst v63  }
0x127: {  	_ =	swait.ge [sflag:s19], $0x2800  }
0x128: {  	[sflag:s19] =	ssyncset.done $0x0  }
0x129: {  	s12 =	simm.s32 $0x7;
	[sflag:s19] =	ssyncadd.s32 $0xFFFFD800  }
0x12a: {  	_ =	swait.ge [sflag:s12], $0x50  }
0x12b: {  	[sflag:s12] =	ssyncset.done $0x0  }
0x12c: {  	s16 =	simm.s32 $0xF;
	[sflag:s12] =	ssyncadd.s32 $0xFFFFFFB0  }
0x12d: {  	_ =	swait.ge [sflag:s16], $0x50  }
0x12e: {  	[sflag:s16] =	ssyncset.done $0x0  }
0x12f: {  	s28 =	simm.s32 $0x300;
	[sflag:s16] =	ssyncadd.s32 $0xFFFFFFB0  }
0x130: {  	[tilespmem:s9], [sflag:$0x13] =	stream.indirect.gather [hbm4b:s1+s29], $0x80, s28, s29, $0xb8;
	[tilespmem:$0x1E080] =	vst v63  }
0x131: {  	s12 =	simm.s32 $0x580  }
0x132: {  	[spmem:s2] =	stream.indirect.scatter.add.f32 [tilespmem:s13], [sflag:$0x15], $0x80, s12, s29, $0xb8;
	[tilespmem:$0x1E080] =	vst v63  }
0x133: {  	_ =	swait.ge [sflag:s26], $0x2800  }
0x134: {  	s16 =	sld [smem:$0x7F0];
	_ =	sdelay $0x1  }
0x135: {  	[sflag:s26] =	ssyncset.done $0x0  }
0x136: {  	[sflag:s26] =	ssyncadd.s32 $0xFFFFD800;
	s6 =	sadd.s32 s23, s16  }
0x137: {  	[tilespmem:s20], [sflag:$0x4] =	stream.linear.gather [hbm4b:s6+s4], $0x50, $0x38;
	[tilespmem:$0x1E080] =	vst v63  }
0x138: {  	s20 =	sld [smem:$0x7EF];
	_ =	sdelay $0x2  }
0x139: {  	s6 =	sadd.s32 s23, s20  }
0x13a: {  	[tilespmem:s12], [sflag:$0xC] =	stream.linear.gather [hbm4b:s6+s4], $0x50, $0x38;
	[tilespmem:$0x1E080] =	vst v63  }
0x13b: {  	_ =	swait.ge [sflag:s10], $0x2800  }
0x13c: {  	[sflag:s10] =	ssyncset.done $0x0  }
0x13d: {  	s12 =	simm.s32 $0x8;
	[sflag:s10] =	ssyncadd.s32 $0xFFFFD800  }
0x13e: {  	_ =	swait.ge [sflag:s12], $0x50  }
0x13f: {  	[sflag:s12] =	ssyncset.done $0x0  }
0x140: {  	s28 =	simm.s32 $0x10;
	[sflag:s12] =	ssyncadd.s32 $0xFFFFFFB0  }
0x141: {  	_ =	swait.ge [sflag:s28], $0x50  }
0x142: {  	[sflag:s28] =	ssyncset.done $0x0  }
0x143: {  	[sflag:s28] =	ssyncadd.s32 $0xFFFFFFB0  }
0x144: {  	[tilespmem:s13], [sflag:$0x14] =	stream.indirect.gather [hbm4b:s1+s29], $0x80, s11, s29, $0xb8;
	[tilespmem:$0x1E080] =	vst v63  }
0x145: {  	s28 =	simm.s32 $0x600  }
0x146: {  	[spmem:s2] =	stream.indirect.scatter.add.f32 [tilespmem:s25], [sflag:$0x15], $0x80, s28, s29, $0xb8;
	[tilespmem:$0x1E080] =	vst v63  }
0x147: {  	_ =	swait.ge [sflag:s26], $0x2800  }
0x148: {  	s11 =	sld [smem:$0x7EE];
	_ =	sdelay $0x1  }
0x149: {  	[sflag:s26] =	ssyncset.done $0x0;
	s12 =	sld [smem:$0x7ED]  }
0x14a: {  	[sflag:s26] =	ssyncadd.s32 $0xFFFFD800;
	s6 =	sadd.s32 s23, s11  }
0x14b: {  	[tilespmem:s30], [sflag:$0x5] =	stream.linear.gather [hbm4b:s6+s4], $0x50, $0x38;
	[tilespmem:$0x1E080] =	vst v63  }
0x14c: {  	s6 =	sadd.s32 s23, s12  }
0x14d: {  	[tilespmem:s28], [sflag:$0xD] =	stream.linear.gather [hbm4b:s6+s4], $0x50, $0x38;
	[tilespmem:$0x1E080] =	vst v63  }
0x14e: {  	_ =	swait.ge [sflag:s14], $0x2800  }
0x14f: {  	[sflag:s14] =	ssyncset.done $0x0  }
0x150: {  	s28 =	simm.s32 $0x1;
	[sflag:s14] =	ssyncadd.s32 $0xFFFFD800  }
0x151: {  	_ =	swait.ge [sflag:s28], $0x50  }
0x152: {  	[sflag:s28] =	ssyncset.done $0x0  }
0x153: {  	s30 =	simm.s32 $0x9;
	[sflag:s28] =	ssyncadd.s32 $0xFFFFFFB0  }
0x154: {  	_ =	swait.ge [sflag:s30], $0x50  }
0x155: {  	[sflag:s30] =	ssyncset.done $0x0  }
0x156: {  	[sflag:s30] =	ssyncadd.s32 $0xFFFFFFB0  }
0x157: {  	[tilespmem:s25], [sflag:$0x11] =	stream.indirect.gather [hbm4b:s1+s29], $0x80, s4, s29, $0xb8;
	[tilespmem:$0x1E080] =	vst v63  }
0x158: {  	s28 =	simm.s32 $0x680  }
0x159: {  	[spmem:s2] =	stream.indirect.scatter.add.f32 [tilespmem:s0], [sflag:$0x15], $0x80, s28, s29, $0xb8;
	[tilespmem:$0x1E080] =	vst v63  }
0x15a: {  	p1 =	seq.s32 s23, $0x460;
	_ =	swait.ge [sflag:s26], $0x2800  }
0x15b: {  	s30 =	simm.s32 @!p1 $0x280;
	[sflag:s26] =	ssyncset.done $0x0;
	s6 =	rddreg [dreg:$0x1f]  }
0x15c: {  	s28 =	simm.s32 @!p1 $0x0;
	[sflag:s26] =	ssyncadd.s32 $0xFFFFD800;
	s6 =	sadd.s32 @!p1 s23, s6  }
0x15d: {  	[tilespmem:s30], [sflag:$0x6] =	stream.linear.gather @!p1 [hbm4b:s6+s28], $0x50, $0x38;
	[tilespmem:$0x1E080] =	vst v63  }
0x15e: {  	s6 =	rddreg [dreg:$0x1e]  }
0x15f: {  	s30 =	simm.s32 @!p1 $0x680;
	s6 =	sadd.s32 @!p1 s23, s6  }
0x160: {  	[tilespmem:s30], [sflag:$0xE] =	stream.linear.gather @!p1 [hbm4b:s6+s28], $0x50, $0x38;
	[tilespmem:$0x1E080] =	vst v63  }
0x161: {  	_ =	swait.ge [sflag:s24], $0x2800  }
0x162: {  	[sflag:s24] =	ssyncset.done $0x0  }
0x163: {  	s30 =	simm.s32 $0x2;
	[sflag:s24] =	ssyncadd.s32 $0xFFFFD800  }
0x164: {  	_ =	swait.ge [sflag:s30], $0x50  }
0x165: {  	[sflag:s30] =	ssyncset.done $0x0  }
0x166: {  	[sflag:s30] =	ssyncadd.s32 $0xFFFFFFB0;
	s30 =	simm.s32 $0xA  }
0x167: {  	_ =	swait.ge [sflag:s30], $0x50  }
0x168: {  	[sflag:s30] =	ssyncset.done $0x0  }
0x169: {  	[sflag:s30] =	ssyncadd.s32 $0xFFFFFFB0  }
0x16a: {  	[tilespmem:s0], [sflag:$0x12] =	stream.indirect.gather [hbm4b:s1+s29], $0x80, s18, s29, $0xb8;
	[tilespmem:$0x1E080] =	vst v63  }
0x16b: {  	s18 =	simm.s32 $0x700  }
0x16c: {  	[spmem:s2] =	stream.indirect.scatter.add.f32 [tilespmem:s9], [sflag:$0x15], $0x80, s18, s29, $0xb8;
	[tilespmem:$0x1E080] =	vst v63  }
0x16d: {  	_ =	swait.ge [sflag:s26], $0x2800  }
0x16e: {  	[sflag:s26] =	ssyncset.done $0x0;
	s6 =	rddreg [dreg:$0x1d]  }
0x16f: {  	s30 =	simm.s32 @!p1 $0x300;
	[sflag:s26] =	ssyncadd.s32 $0xFFFFD800;
	s6 =	sadd.s32 @!p1 s23, s6  }
0x170: {  	[tilespmem:s30], [sflag:$0x7] =	stream.linear.gather @!p1 [hbm4b:s6+s28], $0x50, $0x38;
	[tilespmem:$0x1E080] =	vst v63  }
0x171: {  	s6 =	rddreg [dreg:$0x1c]  }
0x172: {  	s30 =	simm.s32 @!p1 $0x700;
	s6 =	sadd.s32 @!p1 s23, s6  }
0x173: {  	[tilespmem:s30], [sflag:$0xF] =	stream.linear.gather @!p1 [hbm4b:s6+s28], $0x50, $0x38;
	[tilespmem:$0x1E080] =	vst v63  }
0x174: {  	_ =	swait.ge [sflag:s19], $0x2800  }
0x175: {  	[sflag:s19] =	ssyncset.done $0x0  }
0x176: {  	s28 =	simm.s32 $0x3;
	[sflag:s19] =	ssyncadd.s32 $0xFFFFD800  }
0x177: {  	_ =	swait.ge [sflag:s28], $0x50  }
0x178: {  	[sflag:s28] =	ssyncset.done $0x0  }
0x179: {  	s30 =	simm.s32 $0xB;
	[sflag:s28] =	ssyncadd.s32 $0xFFFFFFB0  }
0x17a: {  	_ =	swait.ge [sflag:s30], $0x50  }
0x17b: {  	[sflag:s30] =	ssyncset.done $0x0  }
0x17c: {  	[sflag:s30] =	ssyncadd.s32 $0xFFFFFFB0  }
0x17d: {  	[tilespmem:s9], [sflag:$0x13] =	stream.indirect.gather [hbm4b:s1+s29], $0x80, s5, s29, $0xb8;
	[tilespmem:$0x1E080] =	vst v63  }
.Ltmp3:
0x17e: {  	s31 =	simm.s32 $0x400;
	s3 =	simm.s32 $0x480;
	(pc) =	sbr.rel @p1 .LBB2_6-.Ltmp3, $4  }
0x17f: {  	[spmem:s2] =	stream.indirect.scatter.add.f32 [tilespmem:s13], [sflag:$0x15], $0x80, s22, s29, $0xb8;
	[tilespmem:$0x1E080] =	vst v63  }
0x180: {  	s8 =	simm.s32 $0x500;
	s16 =	simm.s32 $0x180;
	_ =	swait.ge [sflag:s26], $0x2800  }
0x181: {  	s20 =	simm.s32 $0x580;
	s11 =	simm.s32 $0x200;
	[sflag:s26] =	ssyncset.done $0x0  }
0x182: {  	s12 =	simm.s32 $0x600;
	s18 =	simm.s32 $0x780;
	[sflag:s26] =	ssyncadd.s32 $0xFFFFD800  }
0x183: {  	s6 =	rddreg [dreg:$0x1b]  }
.Ltmp4:
0x184: {  	s31 =	rddreg [dreg:$0x1a];
	(pc) =	sbr.rel .LBB2_4-.Ltmp4, $4  }
0x185: {  	s7 =	sadd.s32 $0x280, s7;
	s11 =	simm.s32 $0x380;
	s6 =	sadd.s32 s23, s6  }
0x186: {  	[tilespmem:s21], [sflag:$0x8] =	stream.linear.gather [hbm4b:s6+s4], $0x50, $0x38;
	[tilespmem:$0x1E080] =	vst v63  }
0x187: {  	s22 =	simm.s32 $0x780;
	s6 =	sadd.s32 s23, s31;
	s23 =	sadd.s32 $0x50, s23  }
0x188: {  	[tilespmem:s18], [sflag:$0x10] =	stream.linear.gather [hbm4b:s6+s4], $0x50, $0x38;
	[tilespmem:$0x1E080] =	vst v63  }
.LBB2_7:
0x189: {  	_ =	sfence.sel $0x180000  }
0x18a: {  	[bflag:$0x0] =	sbarrier.arrive $0xFFFF  }
0x18b: {  	_ =	strace $0x9000004A  }
0x18c: {  	[bflag:$0x2] =	sbarrier.arrive $0xFFFF  }
0x18d: {  	s0 =	rddreg [dreg:$0x3]  }
0x18e: {  	s0 =	sadd.s32 @!p0 $0x100000, s0  }
0x18f: {  	[sflag:s0] =	ssyncadd.tile.s32 @!p0 $0x1;
	_ =	shalt  }
.Lfunc_end2:
_tile_overlayer_lowered:
.L_overlay_start_2:
0x190: {  	(tag) =	ssettag $0x2  }
0x191: {  	s0 =	rddreg [dreg:$0x0];
	s2 =	stileid.u32  }
0x192: {  	s1 =	rddreg [dreg:$0x1];
	p0 =	sne.s32 s2, $0x0  }
0x193: {  	s3 =	rddreg [dreg:$0x2];
	[bflag:$0x3] =	sbarrier.arrive $0xFFFF;
	s2 =	simm.s32 @!p0 $0x1C15  }
0x194: {  	[timem:s3], [sflag:s2] =	dma.local @!p0 [hbm:s0], s1  }
0x195: {  	s0 =	simm.s32 @!p0 $0x15  }
0x196: {  	_ =	swait.ge @!p0 [sflag:s0], s1  }
0x197: {  	s1 =	ssub.s32 @!p0 $0x0, s1;
	[sflag:s0] =	ssyncset.done @!p0 $0x0  }
0x198: {  	[sflag:s0] =	ssyncadd.s32 @!p0 s1  }
0x199: {  	[bflag:$0x3] =	sbarrier.arrive $0xFFFF  }
0x19a: {  	_ =	shalt  }

</sc_bundles>
